<compile_context>
chip_gen: v7x
topology: tpu7x:2x2x1
jax: 0.10.2.dev20260603
libtpu: 0.0.44.dev20260713+nightly
codegen_flags: <defaults>
</compile_context>

<pallas_src>
import functools

import jax
import jax.numpy as jnp
from jax import lax
from jax.experimental import pallas as pl
from jax.experimental.pallas import tpu as pltpu
from jax.experimental.pallas import tpu_sc as plsc

EMBED_DIM = 32
LANES = 16


def kernel(user_ids, item_ids, user_table, item_table):
    B = user_ids.shape[0]
    info = plsc.get_sparse_core_info()
    nw = info.num_cores * info.num_subcores
    b_per_w = B // nw
    mesh = plsc.VectorSubcoreMesh(core_axis_name="c", subcore_axis_name="s")

    @functools.partial(
        pl.kernel,
        mesh=mesh,
        out_type=jax.ShapeDtypeStruct((B,), jnp.float32),
        compiler_params=pltpu.CompilerParams(
            needs_layout_passes=False, use_tc_tiling_on_sc=False),
        scratch_types=[
            pltpu.VMEM((b_per_w,), jnp.int32),
            pltpu.VMEM((b_per_w,), jnp.int32),
            pltpu.VMEM((b_per_w, EMBED_DIM), jnp.float32),
            pltpu.VMEM((b_per_w, EMBED_DIM), jnp.float32),
            pltpu.VMEM((b_per_w,), jnp.float32),
            pltpu.SemaphoreType.DMA,
            pltpu.SemaphoreType.DMA,
        ],
    )
    def sc_kernel(uids_hbm, iids_hbm, utab_hbm, itab_hbm, out_hbm,
                  uidx_v, iidx_v, urows_v, irows_v, out_v, sem_u, sem_i):
        wid = lax.axis_index("s") * info.num_cores + lax.axis_index("c")
        base = wid * b_per_w
        pltpu.sync_copy(uids_hbm.at[pl.ds(base, b_per_w)], uidx_v)
        pltpu.sync_copy(iids_hbm.at[pl.ds(base, b_per_w)], iidx_v)
        cu = pltpu.async_copy(utab_hbm.at[uidx_v], urows_v, sem_u)
        ci = pltpu.async_copy(itab_hbm.at[iidx_v], irows_v, sem_i)
        cu.wait()
        ci.wait()

        lane = lax.iota(jnp.int32, LANES)

        def body(blk, carry):
            row0 = blk * LANES
            acc = jnp.zeros((LANES,), jnp.float32)
            for r in range(LANES):
                row = row0 + r
                s = (urows_v[row, pl.ds(0, LANES)] * irows_v[row, pl.ds(0, LANES)]
                     + urows_v[row, pl.ds(LANES, LANES)] * irows_v[row, pl.ds(LANES, LANES)])
                tot = jnp.sum(s)
                acc = acc + jnp.where(lane == r, tot, jnp.float32(0.0))
            out_v[pl.ds(row0, LANES)] = acc
            return carry

        lax.fori_loop(0, b_per_w // LANES, body, 0)
        pltpu.sync_copy(out_v, out_hbm.at[pl.ds(base, b_per_w)])

    out = sc_kernel(user_ids, item_ids, user_table, item_table)
    return out[:, None]

# --- scband reference (transcript-rebuilt; emitter-appended) ---
"""Pipeline reference for scband-matrix-factorizatoin-dot-product-11579231830836 (READ-ONLY COPY).

The authoritative reference and input builder live on the scoring server;
editing this copy changes nothing except your own understanding.
"""

import jax, jax.numpy as jnp
import numpy as np

N_USERS = 1000000
N_ITEMS = 1000000
EMBED_DIM = 32
BATCH = 16384

def setup_inputs(seed: int = 0) -> dict:
    key = jax.random.key(seed)
    k1, k2, k3, k4 = jax.random.split(key, 4)
    user_ids = jax.random.randint(k1, (BATCH,), 0, N_USERS, dtype=jnp.int64 if jax.config.jax_enable_x64 else jnp.int32)
    item_ids = jax.random.randint(k2, (BATCH,), 0, N_ITEMS, dtype=jnp.int64 if jax.config.jax_enable_x64 else jnp.int32)
    # xavier_uniform for Embedding(num, dim): bound = sqrt(6/(num+dim))
    ub = float(np.sqrt(6.0 / (N_USERS + EMBED_DIM)))
    ib = float(np.sqrt(6.0 / (N_ITEMS + EMBED_DIM)))
    user_table = jax.random.uniform(k3, (N_USERS, EMBED_DIM), minval=-ub, maxval=ub, dtype=jnp.float32)
    item_table = jax.random.uniform(k4, (N_ITEMS, EMBED_DIM), minval=-ib, maxval=ib, dtype=jnp.float32)
    return {"user_ids": user_ids, "item_ids": item_ids, "user_table": user_table, "item_table": item_table}

def reference(user_ids, item_ids, user_table, item_table):
    # users/items already 1-D (squeeze is a no-op)
    user_embeds = jnp.take(user_table, user_ids, axis=0)
    item_embeds = jnp.take(item_table, item_ids, axis=0)
    output = jnp.sum(user_embeds * item_embeds, axis=1)
    return output[:, None]

if __name__ == "__main__":
    import jax
    _d = setup_inputs()
    print(jax.jit(kernel)(*tuple(_d.values())))

</pallas_src>

<mosaic_0001>
#map = affine_map<(d0, d1) -> (0)>
#map1 = affine_map<(d0, d1) -> (0, 0)>
module attributes {stable_mosaic.version = 14 : i64} {
  func.func @sc_kernel(%arg0: i32, %arg1: i32, %arg2: memref<16384xi32, #tpu.memory_space<hbm>>, %arg3: memref<16384xi32, #tpu.memory_space<hbm>>, %arg4: memref<1000000x32xf32, #tpu.memory_space<hbm>>, %arg5: memref<1000000x32xf32, #tpu.memory_space<hbm>>, %arg6: memref<16384xf32, #tpu.memory_space<hbm>>, %arg7: memref<512xi32, #tpu.memory_space<vmem>>, %arg8: memref<512xi32, #tpu.memory_space<vmem>>, %arg9: memref<512x32xf32, #tpu.memory_space<vmem>>, %arg10: memref<512x32xf32, #tpu.memory_space<vmem>>, %arg11: memref<512xf32, #tpu.memory_space<vmem>>, %arg12: memref<!tpu.dma_semaphore, #tpu.memory_space<semaphore_mem>>, %arg13: memref<!tpu.dma_semaphore, #tpu.memory_space<semaphore_mem>>) attributes {dimension_semantics = [#tpu.dimension_semantics<core_parallel>, #tpu.dimension_semantics<subcore_parallel>], iteration_bounds = array<i64: 2, 16>, scalar_prefetch = 0 : i64, scratch_operands = 7 : i64, tpu.core_type = #tpu.core_type<sc_vector_subcore>, window_params = [{transform_indices = #map}, {transform_indices = #map}, {transform_indices = #map1}, {transform_indices = #map1}, {transform_indices = #map}]} {
    %mul3A = arith.constant 2 : i32
    %mul3A_0 = arith.muli %arg1, %mul3A : i32
    %add3A = arith.addi %mul3A_0, %arg0 : i32
    %mul3A_1 = arith.constant 512 : i32
    %mul3A_2 = arith.muli %add3A, %mul3A_1 : i32
    "tpu.region"() ({
      %run_scoped3A = tpu.sem_alloc : memref<!tpu.dma_semaphore, #tpu.memory_space<semaphore_mem>>
      %dma_start3A_18 = tpu.memref_slice %arg2[%mul3A_2] : memref<16384xi32, #tpu.memory_space<hbm>> -> memref<512xi32, #tpu.memory_space<hbm>>
      %dma_start3A_19 = tpu.memref_slice %arg2[%mul3A_2] : memref<16384xi32, #tpu.memory_space<hbm>> -> memref<512xi32, #tpu.memory_space<hbm>>
      tpu.enqueue_dma source(%dma_start3A_19 : memref<512xi32, #tpu.memory_space<hbm>>) target(%arg7 : memref<512xi32, #tpu.memory_space<vmem>>) target_semaphore(%run_scoped3A : memref<!tpu.dma_semaphore, #tpu.memory_space<semaphore_mem>>)
      %dma_wait3A_20 = tpu.memref_slice %arg2[%mul3A_2] : memref<16384xi32, #tpu.memory_space<hbm>> -> memref<512xi32, #tpu.memory_space<hbm>>
      %dma_wait3A_21 = tpu.memref_slice %arg2[%mul3A_2] : memref<16384xi32, #tpu.memory_space<hbm>> -> memref<512xi32, #tpu.memory_space<hbm>>
      tpu.wait_dma2 semaphore(%run_scoped3A : memref<!tpu.dma_semaphore, #tpu.memory_space<semaphore_mem>>) src(%dma_wait3A_21 : memref<512xi32, #tpu.memory_space<hbm>>) dst(%arg7 : memref<512xi32, #tpu.memory_space<vmem>>)
      tpu.yield
    }) : () -> ()
    "tpu.region"() ({
      %run_scoped3A = tpu.sem_alloc : memref<!tpu.dma_semaphore, #tpu.memory_space<semaphore_mem>>
      %dma_start3A_18 = tpu.memref_slice %arg3[%mul3A_2] : memref<16384xi32, #tpu.memory_space<hbm>> -> memref<512xi32, #tpu.memory_space<hbm>>
      %dma_start3A_19 = tpu.memref_slice %arg3[%mul3A_2] : memref<16384xi32, #tpu.memory_space<hbm>> -> memref<512xi32, #tpu.memory_space<hbm>>
      tpu.enqueue_dma source(%dma_start3A_19 : memref<512xi32, #tpu.memory_space<hbm>>) target(%arg8 : memref<512xi32, #tpu.memory_space<vmem>>) target_semaphore(%run_scoped3A : memref<!tpu.dma_semaphore, #tpu.memory_space<semaphore_mem>>)
      %dma_wait3A_20 = tpu.memref_slice %arg3[%mul3A_2] : memref<16384xi32, #tpu.memory_space<hbm>> -> memref<512xi32, #tpu.memory_space<hbm>>
      %dma_wait3A_21 = tpu.memref_slice %arg3[%mul3A_2] : memref<16384xi32, #tpu.memory_space<hbm>> -> memref<512xi32, #tpu.memory_space<hbm>>
      tpu.wait_dma2 semaphore(%run_scoped3A : memref<!tpu.dma_semaphore, #tpu.memory_space<semaphore_mem>>) src(%dma_wait3A_21 : memref<512xi32, #tpu.memory_space<hbm>>) dst(%arg8 : memref<512xi32, #tpu.memory_space<vmem>>)
      tpu.yield
    }) : () -> ()
    %dma_start3A = arith.constant 0 : i32
    %dma_start3A_3 = arith.constant 0 : i32
    %dma_start3A_4 = tpu.memref_slice %arg4[%dma_start3A, %dma_start3A_3] : memref<1000000x32xf32, #tpu.memory_space<hbm>> -> memref<1000000x32xf32, #tpu.memory_space<hbm>>
    tpu.enqueue_indirect_dma source(%dma_start3A_4 : memref<1000000x32xf32, #tpu.memory_space<hbm>>) target(%arg9 : memref<512x32xf32, #tpu.memory_space<vmem>>) offsets(%arg7 : memref<512xi32, #tpu.memory_space<vmem>>) semaphore(%arg12 : memref<!tpu.dma_semaphore, #tpu.memory_space<semaphore_mem>>)
    %dma_start3A_5 = arith.constant 0 : i32
    %dma_start3A_6 = arith.constant 0 : i32
    %dma_start3A_7 = tpu.memref_slice %arg5[%dma_start3A_5, %dma_start3A_6] : memref<1000000x32xf32, #tpu.memory_space<hbm>> -> memref<1000000x32xf32, #tpu.memory_space<hbm>>
    tpu.enqueue_indirect_dma source(%dma_start3A_7 : memref<1000000x32xf32, #tpu.memory_space<hbm>>) target(%arg10 : memref<512x32xf32, #tpu.memory_space<vmem>>) offsets(%arg8 : memref<512xi32, #tpu.memory_space<vmem>>) semaphore(%arg13 : memref<!tpu.dma_semaphore, #tpu.memory_space<semaphore_mem>>)
    %dma_wait3A = arith.constant 0 : i32
    %dma_wait3A_8 = arith.constant 0 : i32
    %dma_wait3A_9 = tpu.memref_slice %arg4[%dma_wait3A, %dma_wait3A_8] : memref<1000000x32xf32, #tpu.memory_space<hbm>> -> memref<1000000x32xf32, #tpu.memory_space<hbm>>
    tpu.wait_indirect_dma semaphore(%arg12 : memref<!tpu.dma_semaphore, #tpu.memory_space<semaphore_mem>>) src(%dma_wait3A_9 : memref<1000000x32xf32, #tpu.memory_space<hbm>>) dst(%arg9 : memref<512x32xf32, #tpu.memory_space<vmem>>)
    %dma_wait3A_10 = arith.constant 0 : i32
    %dma_wait3A_11 = arith.constant 0 : i32
    %dma_wait3A_12 = tpu.memref_slice %arg5[%dma_wait3A_10, %dma_wait3A_11] : memref<1000000x32xf32, #tpu.memory_space<hbm>> -> memref<1000000x32xf32, #tpu.memory_space<hbm>>
    tpu.wait_indirect_dma semaphore(%arg13 : memref<!tpu.dma_semaphore, #tpu.memory_space<semaphore_mem>>) src(%dma_wait3A_12 : memref<1000000x32xf32, #tpu.memory_space<hbm>>) dst(%arg10 : memref<512x32xf32, #tpu.memory_space<vmem>>)
    %iota3A = tpu.iota {dimensions = array<i32: 0>} : vector<16xi32>
    %scan3A = arith.constant 0 : i32
    %scan3A_13 = arith.constant 0 : i32
    %scan3A_14 = arith.constant 32 : i32
    %scan3A_15 = arith.addi %scan3A_13, %scan3A_14 : i32
    %scan3A_16 = arith.constant 1 : i32
    scf.for %scan3A_18 = %scan3A_13 to %scan3A_15 step %scan3A_16  : i32 {
      %mul3A_19 = arith.constant 16 : i32
      %mul3A_20 = arith.muli %scan3A_18, %mul3A_19 : i32
      %broadcast_in_dim3A = arith.constant 0.000000e+00 : f32
      %broadcast_in_dim3A_21 = vector.broadcast %broadcast_in_dim3A : f32 to vector<16xf32>
      %add3A_22 = arith.constant 0 : i32
      %add3A_23 = arith.addi %mul3A_20, %add3A_22 : i32
      %get3A = arith.index_cast %add3A_23 : i32 to index
      %get3A_24 = arith.constant 0 : index
      %get3A_25 = tpu.vector_load %arg9[%get3A, %get3A_24] {strides = array<i32>} : memref<512x32xf32, #tpu.memory_space<vmem>>, vector<16xf32>,
      %get3A_26 = arith.index_cast %add3A_23 : i32 to index
      %get3A_27 = arith.constant 0 : index
      %get3A_28 = tpu.vector_load %arg10[%get3A_26, %get3A_27] {strides = array<i32>} : memref<512x32xf32, #tpu.memory_space<vmem>>, vector<16xf32>,
      %mul3A_29 = arith.mulf %get3A_25, %get3A_28 : vector<16xf32>
      %get3A_30 = arith.index_cast %add3A_23 : i32 to index
      %get3A_31 = arith.constant 16 : index
      %get3A_32 = tpu.vector_load %arg9[%get3A_30, %get3A_31] {strides = array<i32>} : memref<512x32xf32, #tpu.memory_space<vmem>>, vector<16xf32>,
      %get3A_33 = arith.index_cast %add3A_23 : i32 to index
      %get3A_34 = arith.constant 16 : index
      %get3A_35 = tpu.vector_load %arg10[%get3A_33, %get3A_34] {strides = array<i32>} : memref<512x32xf32, #tpu.memory_space<vmem>>, vector<16xf32>,
      %mul3A_36 = arith.mulf %get3A_32, %get3A_35 : vector<16xf32>
      %add3A_37 = arith.addf %mul3A_29, %mul3A_36 : vector<16xf32>
      %reduce_sum3A = arith.constant true
      %reduce_sum3A_38 = vector.broadcast %reduce_sum3A : i1 to vector<16xi1>
      %reduce_sum3A_39 = tpu.scan <sum>, %add3A_37 masked %reduce_sum3A_38 : vector<16xf32>, vector<16xi1> -> vector<16xf32>
      %reduce_sum3A_40 = vector.extract %reduce_sum3A_39[15] : f32 from vector<16xf32>
      %eq3A = arith.constant 0 : i32
      %eq3A_41 = vector.broadcast %eq3A : i32 to vector<16xi32>
      %eq3A_42 = arith.cmpi eq, %iota3A, %eq3A_41 : vector<16xi32>
      %jit3A = arith.constant 0.000000e+00 : f32
      %broadcast_in_dim3A_43 = vector.broadcast %reduce_sum3A_40 : f32 to vector<16xf32>
      %broadcast_in_dim3A_44 = vector.broadcast %jit3A : f32 to vector<16xf32>
      %select_n3A = arith.select %eq3A_42, %broadcast_in_dim3A_43, %broadcast_in_dim3A_44 : vector<16xi1>, vector<16xf32>
      %add3A_45 = arith.addf %broadcast_in_dim3A_21, %select_n3A : vector<16xf32>
      %add3A_46 = arith.constant 1 : i32
      %add3A_47 = arith.addi %mul3A_20, %add3A_46 : i32
      %get3A_48 = arith.index_cast %add3A_47 : i32 to index
      %get3A_49 = arith.constant 0 : index
      %get3A_50 = tpu.vector_load %arg9[%get3A_48, %get3A_49] {strides = array<i32>} : memref<512x32xf32, #tpu.memory_space<vmem>>, vector<16xf32>,
      %get3A_51 = arith.index_cast %add3A_47 : i32 to index
      %get3A_52 = arith.constant 0 : index
      %get3A_53 = tpu.vector_load %arg10[%get3A_51, %get3A_52] {strides = array<i32>} : memref<512x32xf32, #tpu.memory_space<vmem>>, vector<16xf32>,
      %mul3A_54 = arith.mulf %get3A_50, %get3A_53 : vector<16xf32>
      %get3A_55 = arith.index_cast %add3A_47 : i32 to index
      %get3A_56 = arith.constant 16 : index
      %get3A_57 = tpu.vector_load %arg9[%get3A_55, %get3A_56] {strides = array<i32>} : memref<512x32xf32, #tpu.memory_space<vmem>>, vector<16xf32>,
      %get3A_58 = arith.index_cast %add3A_47 : i32 to index
      %get3A_59 = arith.constant 16 : index
      %get3A_60 = tpu.vector_load %arg10[%get3A_58, %get3A_59] {strides = array<i32>} : memref<512x32xf32, #tpu.memory_space<vmem>>, vector<16xf32>,
      %mul3A_61 = arith.mulf %get3A_57, %get3A_60 : vector<16xf32>
      %add3A_62 = arith.addf %mul3A_54, %mul3A_61 : vector<16xf32>
      %reduce_sum3A_63 = arith.constant true
      %reduce_sum3A_64 = vector.broadcast %reduce_sum3A_63 : i1 to vector<16xi1>
      %reduce_sum3A_65 = tpu.scan <sum>, %add3A_62 masked %reduce_sum3A_64 : vector<16xf32>, vector<16xi1> -> vector<16xf32>
      %reduce_sum3A_66 = vector.extract %reduce_sum3A_65[15] : f32 from vector<16xf32>
      %eq3A_67 = arith.constant 1 : i32
      %eq3A_68 = vector.broadcast %eq3A_67 : i32 to vector<16xi32>
      %eq3A_69 = arith.cmpi eq, %iota3A, %eq3A_68 : vector<16xi32>
      %jit3A_70 = arith.constant 0.000000e+00 : f32
      %broadcast_in_dim3A_71 = vector.broadcast %reduce_sum3A_66 : f32 to vector<16xf32>
      %broadcast_in_dim3A_72 = vector.broadcast %jit3A_70 : f32 to vector<16xf32>
      %select_n3A_73 = arith.select %eq3A_69, %broadcast_in_dim3A_71, %broadcast_in_dim3A_72 : vector<16xi1>, vector<16xf32>
      %add3A_74 = arith.addf %add3A_45, %select_n3A_73 : vector<16xf32>
      %add3A_75 = arith.constant 2 : i32
      %add3A_76 = arith.addi %mul3A_20, %add3A_75 : i32
      %get3A_77 = arith.index_cast %add3A_76 : i32 to index
      %get3A_78 = arith.constant 0 : index
      %get3A_79 = tpu.vector_load %arg9[%get3A_77, %get3A_78] {strides = array<i32>} : memref<512x32xf32, #tpu.memory_space<vmem>>, vector<16xf32>,
      %get3A_80 = arith.index_cast %add3A_76 : i32 to index
      %get3A_81 = arith.constant 0 : index
      %get3A_82 = tpu.vector_load %arg10[%get3A_80, %get3A_81] {strides = array<i32>} : memref<512x32xf32, #tpu.memory_space<vmem>>, vector<16xf32>,
      %mul3A_83 = arith.mulf %get3A_79, %get3A_82 : vector<16xf32>
      %get3A_84 = arith.index_cast %add3A_76 : i32 to index
      %get3A_85 = arith.constant 16 : index
      %get3A_86 = tpu.vector_load %arg9[%get3A_84, %get3A_85] {strides = array<i32>} : memref<512x32xf32, #tpu.memory_space<vmem>>, vector<16xf32>,
      %get3A_87 = arith.index_cast %add3A_76 : i32 to index
      %get3A_88 = arith.constant 16 : index
      %get3A_89 = tpu.vector_load %arg10[%get3A_87, %get3A_88] {strides = array<i32>} : memref<512x32xf32, #tpu.memory_space<vmem>>, vector<16xf32>,
      %mul3A_90 = arith.mulf %get3A_86, %get3A_89 : vector<16xf32>
      %add3A_91 = arith.addf %mul3A_83, %mul3A_90 : vector<16xf32>
      %reduce_sum3A_92 = arith.constant true
      %reduce_sum3A_93 = vector.broadcast %reduce_sum3A_92 : i1 to vector<16xi1>
      %reduce_sum3A_94 = tpu.scan <sum>, %add3A_91 masked %reduce_sum3A_93 : vector<16xf32>, vector<16xi1> -> vector<16xf32>
      %reduce_sum3A_95 = vector.extract %reduce_sum3A_94[15] : f32 from vector<16xf32>
      %eq3A_96 = arith.constant 2 : i32
      %eq3A_97 = vector.broadcast %eq3A_96 : i32 to vector<16xi32>
      %eq3A_98 = arith.cmpi eq, %iota3A, %eq3A_97 : vector<16xi32>
      %jit3A_99 = arith.constant 0.000000e+00 : f32
      %broadcast_in_dim3A_100 = vector.broadcast %reduce_sum3A_95 : f32 to vector<16xf32>
      %broadcast_in_dim3A_101 = vector.broadcast %jit3A_99 : f32 to vector<16xf32>
      %select_n3A_102 = arith.select %eq3A_98, %broadcast_in_dim3A_100, %broadcast_in_dim3A_101 : vector<16xi1>, vector<16xf32>
      %add3A_103 = arith.addf %add3A_74, %select_n3A_102 : vector<16xf32>
      %add3A_104 = arith.constant 3 : i32
      %add3A_105 = arith.addi %mul3A_20, %add3A_104 : i32
      %get3A_106 = arith.index_cast %add3A_105 : i32 to index
      %get3A_107 = arith.constant 0 : index
      %get3A_108 = tpu.vector_load %arg9[%get3A_106, %get3A_107] {strides = array<i32>} : memref<512x32xf32, #tpu.memory_space<vmem>>, vector<16xf32>,
      %get3A_109 = arith.index_cast %add3A_105 : i32 to index
      %get3A_110 = arith.constant 0 : index
      %get3A_111 = tpu.vector_load %arg10[%get3A_109, %get3A_110] {strides = array<i32>} : memref<512x32xf32, #tpu.memory_space<vmem>>, vector<16xf32>,
      %mul3A_112 = arith.mulf %get3A_108, %get3A_111 : vector<16xf32>
      %get3A_113 = arith.index_cast %add3A_105 : i32 to index
      %get3A_114 = arith.constant 16 : index
      %get3A_115 = tpu.vector_load %arg9[%get3A_113, %get3A_114] {strides = array<i32>} : memref<512x32xf32, #tpu.memory_space<vmem>>, vector<16xf32>,
      %get3A_116 = arith.index_cast %add3A_105 : i32 to index
      %get3A_117 = arith.constant 16 : index
      %get3A_118 = tpu.vector_load %arg10[%get3A_116, %get3A_117] {strides = array<i32>} : memref<512x32xf32, #tpu.memory_space<vmem>>, vector<16xf32>,
      %mul3A_119 = arith.mulf %get3A_115, %get3A_118 : vector<16xf32>
      %add3A_120 = arith.addf %mul3A_112, %mul3A_119 : vector<16xf32>
      %reduce_sum3A_121 = arith.constant true
      %reduce_sum3A_122 = vector.broadcast %reduce_sum3A_121 : i1 to vector<16xi1>
      %reduce_sum3A_123 = tpu.scan <sum>, %add3A_120 masked %reduce_sum3A_122 : vector<16xf32>, vector<16xi1> -> vector<16xf32>
      %reduce_sum3A_124 = vector.extract %reduce_sum3A_123[15] : f32 from vector<16xf32>
      %eq3A_125 = arith.constant 3 : i32
      %eq3A_126 = vector.broadcast %eq3A_125 : i32 to vector<16xi32>
      %eq3A_127 = arith.cmpi eq, %iota3A, %eq3A_126 : vector<16xi32>
      %jit3A_128 = arith.constant 0.000000e+00 : f32
      %broadcast_in_dim3A_129 = vector.broadcast %reduce_sum3A_124 : f32 to vector<16xf32>
      %broadcast_in_dim3A_130 = vector.broadcast %jit3A_128 : f32 to vector<16xf32>
      %select_n3A_131 = arith.select %eq3A_127, %broadcast_in_dim3A_129, %broadcast_in_dim3A_130 : vector<16xi1>, vector<16xf32>
      %add3A_132 = arith.addf %add3A_103, %select_n3A_131 : vector<16xf32>
      %add3A_133 = arith.constant 4 : i32
      %add3A_134 = arith.addi %mul3A_20, %add3A_133 : i32
      %get3A_135 = arith.index_cast %add3A_134 : i32 to index
      %get3A_136 = arith.constant 0 : index
      %get3A_137 = tpu.vector_load %arg9[%get3A_135, %get3A_136] {strides = array<i32>} : memref<512x32xf32, #tpu.memory_space<vmem>>, vector<16xf32>,
      %get3A_138 = arith.index_cast %add3A_134 : i32 to index
      %get3A_139 = arith.constant 0 : index
      %get3A_140 = tpu.vector_load %arg10[%get3A_138, %get3A_139] {strides = array<i32>} : memref<512x32xf32, #tpu.memory_space<vmem>>, vector<16xf32>,
      %mul3A_141 = arith.mulf %get3A_137, %get3A_140 : vector<16xf32>
      %get3A_142 = arith.index_cast %add3A_134 : i32 to index
      %get3A_143 = arith.constant 16 : index
      %get3A_144 = tpu.vector_load %arg9[%get3A_142, %get3A_143] {strides = array<i32>} : memref<512x32xf32, #tpu.memory_space<vmem>>, vector<16xf32>,
      %get3A_145 = arith.index_cast %add3A_134 : i32 to index
      %get3A_146 = arith.constant 16 : index
      %get3A_147 = tpu.vector_load %arg10[%get3A_145, %get3A_146] {strides = array<i32>} : memref<512x32xf32, #tpu.memory_space<vmem>>, vector<16xf32>,
      %mul3A_148 = arith.mulf %get3A_144, %get3A_147 : vector<16xf32>
      %add3A_149 = arith.addf %mul3A_141, %mul3A_148 : vector<16xf32>
      %reduce_sum3A_150 = arith.constant true
      %reduce_sum3A_151 = vector.broadcast %reduce_sum3A_150 : i1 to vector<16xi1>
      %reduce_sum3A_152 = tpu.scan <sum>, %add3A_149 masked %reduce_sum3A_151 : vector<16xf32>, vector<16xi1> -> vector<16xf32>
      %reduce_sum3A_153 = vector.extract %reduce_sum3A_152[15] : f32 from vector<16xf32>
      %eq3A_154 = arith.constant 4 : i32
      %eq3A_155 = vector.broadcast %eq3A_154 : i32 to vector<16xi32>
      %eq3A_156 = arith.cmpi eq, %iota3A, %eq3A_155 : vector<16xi32>
      %jit3A_157 = arith.constant 0.000000e+00 : f32
      %broadcast_in_dim3A_158 = vector.broadcast %reduce_sum3A_153 : f32 to vector<16xf32>
      %broadcast_in_dim3A_159 = vector.broadcast %jit3A_157 : f32 to vector<16xf32>
      %select_n3A_160 = arith.select %eq3A_156, %broadcast_in_dim3A_158, %broadcast_in_dim3A_159 : vector<16xi1>, vector<16xf32>
      %add3A_161 = arith.addf %add3A_132, %select_n3A_160 : vector<16xf32>
      %add3A_162 = arith.constant 5 : i32
      %add3A_163 = arith.addi %mul3A_20, %add3A_162 : i32
      %get3A_164 = arith.index_cast %add3A_163 : i32 to index
      %get3A_165 = arith.constant 0 : index
      %get3A_166 = tpu.vector_load %arg9[%get3A_164, %get3A_165] {strides = array<i32>} : memref<512x32xf32, #tpu.memory_space<vmem>>, vector<16xf32>,
      %get3A_167 = arith.index_cast %add3A_163 : i32 to index
      %get3A_168 = arith.constant 0 : index
      %get3A_169 = tpu.vector_load %arg10[%get3A_167, %get3A_168] {strides = array<i32>} : memref<512x32xf32, #tpu.memory_space<vmem>>, vector<16xf32>,
      %mul3A_170 = arith.mulf %get3A_166, %get3A_169 : vector<16xf32>
      %get3A_171 = arith.index_cast %add3A_163 : i32 to index
      %get3A_172 = arith.constant 16 : index
      %get3A_173 = tpu.vector_load %arg9[%get3A_171, %get3A_172] {strides = array<i32>} : memref<512x32xf32, #tpu.memory_space<vmem>>, vector<16xf32>,
      %get3A_174 = arith.index_cast %add3A_163 : i32 to index
      %get3A_175 = arith.constant 16 : index
      %get3A_176 = tpu.vector_load %arg10[%get3A_174, %get3A_175] {strides = array<i32>} : memref<512x32xf32, #tpu.memory_space<vmem>>, vector<16xf32>,
      %mul3A_177 = arith.mulf %get3A_173, %get3A_176 : vector<16xf32>
      %add3A_178 = arith.addf %mul3A_170, %mul3A_177 : vector<16xf32>
      %reduce_sum3A_179 = arith.constant true
      %reduce_sum3A_180 = vector.broadcast %reduce_sum3A_179 : i1 to vector<16xi1>
      %reduce_sum3A_181 = tpu.scan <sum>, %add3A_178 masked %reduce_sum3A_180 : vector<16xf32>, vector<16xi1> -> vector<16xf32>
      %reduce_sum3A_182 = vector.extract %reduce_sum3A_181[15] : f32 from vector<16xf32>
      %eq3A_183 = arith.constant 5 : i32
      %eq3A_184 = vector.broadcast %eq3A_183 : i32 to vector<16xi32>
      %eq3A_185 = arith.cmpi eq, %iota3A, %eq3A_184 : vector<16xi32>
      %jit3A_186 = arith.constant 0.000000e+00 : f32
      %broadcast_in_dim3A_187 = vector.broadcast %reduce_sum3A_182 : f32 to vector<16xf32>
      %broadcast_in_dim3A_188 = vector.broadcast %jit3A_186 : f32 to vector<16xf32>
      %select_n3A_189 = arith.select %eq3A_185, %broadcast_in_dim3A_187, %broadcast_in_dim3A_188 : vector<16xi1>, vector<16xf32>
      %add3A_190 = arith.addf %add3A_161, %select_n3A_189 : vector<16xf32>
      %add3A_191 = arith.constant 6 : i32
      %add3A_192 = arith.addi %mul3A_20, %add3A_191 : i32
      %get3A_193 = arith.index_cast %add3A_192 : i32 to index
      %get3A_194 = arith.constant 0 : index
      %get3A_195 = tpu.vector_load %arg9[%get3A_193, %get3A_194] {strides = array<i32>} : memref<512x32xf32, #tpu.memory_space<vmem>>, vector<16xf32>,
      %get3A_196 = arith.index_cast %add3A_192 : i32 to index
      %get3A_197 = arith.constant 0 : index
      %get3A_198 = tpu.vector_load %arg10[%get3A_196, %get3A_197] {strides = array<i32>} : memref<512x32xf32, #tpu.memory_space<vmem>>, vector<16xf32>,
      %mul3A_199 = arith.mulf %get3A_195, %get3A_198 : vector<16xf32>
      %get3A_200 = arith.index_cast %add3A_192 : i32 to index
      %get3A_201 = arith.constant 16 : index
      %get3A_202 = tpu.vector_load %arg9[%get3A_200, %get3A_201] {strides = array<i32>} : memref<512x32xf32, #tpu.memory_space<vmem>>, vector<16xf32>,
      %get3A_203 = arith.index_cast %add3A_192 : i32 to index
      %get3A_204 = arith.constant 16 : index
      %get3A_205 = tpu.vector_load %arg10[%get3A_203, %get3A_204] {strides = array<i32>} : memref<512x32xf32, #tpu.memory_space<vmem>>, vector<16xf32>,
      %mul3A_206 = arith.mulf %get3A_202, %get3A_205 : vector<16xf32>
      %add3A_207 = arith.addf %mul3A_199, %mul3A_206 : vector<16xf32>
      %reduce_sum3A_208 = arith.constant true
      %reduce_sum3A_209 = vector.broadcast %reduce_sum3A_208 : i1 to vector<16xi1>
      %reduce_sum3A_210 = tpu.scan <sum>, %add3A_207 masked %reduce_sum3A_209 : vector<16xf32>, vector<16xi1> -> vector<16xf32>
      %reduce_sum3A_211 = vector.extract %reduce_sum3A_210[15] : f32 from vector<16xf32>
      %eq3A_212 = arith.constant 6 : i32
      %eq3A_213 = vector.broadcast %eq3A_212 : i32 to vector<16xi32>
      %eq3A_214 = arith.cmpi eq, %iota3A, %eq3A_213 : vector<16xi32>
      %jit3A_215 = arith.constant 0.000000e+00 : f32
      %broadcast_in_dim3A_216 = vector.broadcast %reduce_sum3A_211 : f32 to vector<16xf32>
      %broadcast_in_dim3A_217 = vector.broadcast %jit3A_215 : f32 to vector<16xf32>
      %select_n3A_218 = arith.select %eq3A_214, %broadcast_in_dim3A_216, %broadcast_in_dim3A_217 : vector<16xi1>, vector<16xf32>
      %add3A_219 = arith.addf %add3A_190, %select_n3A_218 : vector<16xf32>
      %add3A_220 = arith.constant 7 : i32
      %add3A_221 = arith.addi %mul3A_20, %add3A_220 : i32
      %get3A_222 = arith.index_cast %add3A_221 : i32 to index
      %get3A_223 = arith.constant 0 : index
      %get3A_224 = tpu.vector_load %arg9[%get3A_222, %get3A_223] {strides = array<i32>} : memref<512x32xf32, #tpu.memory_space<vmem>>, vector<16xf32>,
      %get3A_225 = arith.index_cast %add3A_221 : i32 to index
      %get3A_226 = arith.constant 0 : index
      %get3A_227 = tpu.vector_load %arg10[%get3A_225, %get3A_226] {strides = array<i32>} : memref<512x32xf32, #tpu.memory_space<vmem>>, vector<16xf32>,
      %mul3A_228 = arith.mulf %get3A_224, %get3A_227 : vector<16xf32>
      %get3A_229 = arith.index_cast %add3A_221 : i32 to index
      %get3A_230 = arith.constant 16 : index
      %get3A_231 = tpu.vector_load %arg9[%get3A_229, %get3A_230] {strides = array<i32>} : memref<512x32xf32, #tpu.memory_space<vmem>>, vector<16xf32>,
      %get3A_232 = arith.index_cast %add3A_221 : i32 to index
      %get3A_233 = arith.constant 16 : index
      %get3A_234 = tpu.vector_load %arg10[%get3A_232, %get3A_233] {strides = array<i32>} : memref<512x32xf32, #tpu.memory_space<vmem>>, vector<16xf32>,
      %mul3A_235 = arith.mulf %get3A_231, %get3A_234 : vector<16xf32>
      %add3A_236 = arith.addf %mul3A_228, %mul3A_235 : vector<16xf32>
      %reduce_sum3A_237 = arith.constant true
      %reduce_sum3A_238 = vector.broadcast %reduce_sum3A_237 : i1 to vector<16xi1>
      %reduce_sum3A_239 = tpu.scan <sum>, %add3A_236 masked %reduce_sum3A_238 : vector<16xf32>, vector<16xi1> -> vector<16xf32>
      %reduce_sum3A_240 = vector.extract %reduce_sum3A_239[15] : f32 from vector<16xf32>
      %eq3A_241 = arith.constant 7 : i32
      %eq3A_242 = vector.broadcast %eq3A_241 : i32 to vector<16xi32>
      %eq3A_243 = arith.cmpi eq, %iota3A, %eq3A_242 : vector<16xi32>
      %jit3A_244 = arith.constant 0.000000e+00 : f32
      %broadcast_in_dim3A_245 = vector.broadcast %reduce_sum3A_240 : f32 to vector<16xf32>
      %broadcast_in_dim3A_246 = vector.broadcast %jit3A_244 : f32 to vector<16xf32>
      %select_n3A_247 = arith.select %eq3A_243, %broadcast_in_dim3A_245, %broadcast_in_dim3A_246 : vector<16xi1>, vector<16xf32>
      %add3A_248 = arith.addf %add3A_219, %select_n3A_247 : vector<16xf32>
      %add3A_249 = arith.constant 8 : i32
      %add3A_250 = arith.addi %mul3A_20, %add3A_249 : i32
      %get3A_251 = arith.index_cast %add3A_250 : i32 to index
      %get3A_252 = arith.constant 0 : index
      %get3A_253 = tpu.vector_load %arg9[%get3A_251, %get3A_252] {strides = array<i32>} : memref<512x32xf32, #tpu.memory_space<vmem>>, vector<16xf32>,
      %get3A_254 = arith.index_cast %add3A_250 : i32 to index
      %get3A_255 = arith.constant 0 : index
      %get3A_256 = tpu.vector_load %arg10[%get3A_254, %get3A_255] {strides = array<i32>} : memref<512x32xf32, #tpu.memory_space<vmem>>, vector<16xf32>,
      %mul3A_257 = arith.mulf %get3A_253, %get3A_256 : vector<16xf32>
      %get3A_258 = arith.index_cast %add3A_250 : i32 to index
      %get3A_259 = arith.constant 16 : index
      %get3A_260 = tpu.vector_load %arg9[%get3A_258, %get3A_259] {strides = array<i32>} : memref<512x32xf32, #tpu.memory_space<vmem>>, vector<16xf32>,
      %get3A_261 = arith.index_cast %add3A_250 : i32 to index
      %get3A_262 = arith.constant 16 : index
      %get3A_263 = tpu.vector_load %arg10[%get3A_261, %get3A_262] {strides = array<i32>} : memref<512x32xf32, #tpu.memory_space<vmem>>, vector<16xf32>,
      %mul3A_264 = arith.mulf %get3A_260, %get3A_263 : vector<16xf32>
      %add3A_265 = arith.addf %mul3A_257, %mul3A_264 : vector<16xf32>
      %reduce_sum3A_266 = arith.constant true
      %reduce_sum3A_267 = vector.broadcast %reduce_sum3A_266 : i1 to vector<16xi1>
      %reduce_sum3A_268 = tpu.scan <sum>, %add3A_265 masked %reduce_sum3A_267 : vector<16xf32>, vector<16xi1> -> vector<16xf32>
      %reduce_sum3A_269 = vector.extract %reduce_sum3A_268[15] : f32 from vector<16xf32>
      %eq3A_270 = arith.constant 8 : i32
      %eq3A_271 = vector.broadcast %eq3A_270 : i32 to vector<16xi32>
      %eq3A_272 = arith.cmpi eq, %iota3A, %eq3A_271 : vector<16xi32>
      %jit3A_273 = arith.constant 0.000000e+00 : f32
      %broadcast_in_dim3A_274 = vector.broadcast %reduce_sum3A_269 : f32 to vector<16xf32>
      %broadcast_in_dim3A_275 = vector.broadcast %jit3A_273 : f32 to vector<16xf32>
      %select_n3A_276 = arith.select %eq3A_272, %broadcast_in_dim3A_274, %broadcast_in_dim3A_275 : vector<16xi1>, vector<16xf32>
      %add3A_277 = arith.addf %add3A_248, %select_n3A_276 : vector<16xf32>
      %add3A_278 = arith.constant 9 : i32
      %add3A_279 = arith.addi %mul3A_20, %add3A_278 : i32
      %get3A_280 = arith.index_cast %add3A_279 : i32 to index
      %get3A_281 = arith.constant 0 : index
      %get3A_282 = tpu.vector_load %arg9[%get3A_280, %get3A_281] {strides = array<i32>} : memref<512x32xf32, #tpu.memory_space<vmem>>, vector<16xf32>,
      %get3A_283 = arith.index_cast %add3A_279 : i32 to index
      %get3A_284 = arith.constant 0 : index
      %get3A_285 = tpu.vector_load %arg10[%get3A_283, %get3A_284] {strides = array<i32>} : memref<512x32xf32, #tpu.memory_space<vmem>>, vector<16xf32>,
      %mul3A_286 = arith.mulf %get3A_282, %get3A_285 : vector<16xf32>
      %get3A_287 = arith.index_cast %add3A_279 : i32 to index
      %get3A_288 = arith.constant 16 : index
      %get3A_289 = tpu.vector_load %arg9[%get3A_287, %get3A_288] {strides = array<i32>} : memref<512x32xf32, #tpu.memory_space<vmem>>, vector<16xf32>,
      %get3A_290 = arith.index_cast %add3A_279 : i32 to index
      %get3A_291 = arith.constant 16 : index
      %get3A_292 = tpu.vector_load %arg10[%get3A_290, %get3A_291] {strides = array<i32>} : memref<512x32xf32, #tpu.memory_space<vmem>>, vector<16xf32>,
      %mul3A_293 = arith.mulf %get3A_289, %get3A_292 : vector<16xf32>
      %add3A_294 = arith.addf %mul3A_286, %mul3A_293 : vector<16xf32>
      %reduce_sum3A_295 = arith.constant true
      %reduce_sum3A_296 = vector.broadcast %reduce_sum3A_295 : i1 to vector<16xi1>
      %reduce_sum3A_297 = tpu.scan <sum>, %add3A_294 masked %reduce_sum3A_296 : vector<16xf32>, vector<16xi1> -> vector<16xf32>
      %reduce_sum3A_298 = vector.extract %reduce_sum3A_297[15] : f32 from vector<16xf32>
      %eq3A_299 = arith.constant 9 : i32
      %eq3A_300 = vector.broadcast %eq3A_299 : i32 to vector<16xi32>
      %eq3A_301 = arith.cmpi eq, %iota3A, %eq3A_300 : vector<16xi32>
      %jit3A_302 = arith.constant 0.000000e+00 : f32
      %broadcast_in_dim3A_303 = vector.broadcast %reduce_sum3A_298 : f32 to vector<16xf32>
      %broadcast_in_dim3A_304 = vector.broadcast %jit3A_302 : f32 to vector<16xf32>
      %select_n3A_305 = arith.select %eq3A_301, %broadcast_in_dim3A_303, %broadcast_in_dim3A_304 : vector<16xi1>, vector<16xf32>
      %add3A_306 = arith.addf %add3A_277, %select_n3A_305 : vector<16xf32>
      %add3A_307 = arith.constant 10 : i32
      %add3A_308 = arith.addi %mul3A_20, %add3A_307 : i32
      %get3A_309 = arith.index_cast %add3A_308 : i32 to index
      %get3A_310 = arith.constant 0 : index
      %get3A_311 = tpu.vector_load %arg9[%get3A_309, %get3A_310] {strides = array<i32>} : memref<512x32xf32, #tpu.memory_space<vmem>>, vector<16xf32>,
      %get3A_312 = arith.index_cast %add3A_308 : i32 to index
      %get3A_313 = arith.constant 0 : index
      %get3A_314 = tpu.vector_load %arg10[%get3A_312, %get3A_313] {strides = array<i32>} : memref<512x32xf32, #tpu.memory_space<vmem>>, vector<16xf32>,
      %mul3A_315 = arith.mulf %get3A_311, %get3A_314 : vector<16xf32>
      %get3A_316 = arith.index_cast %add3A_308 : i32 to index
      %get3A_317 = arith.constant 16 : index
      %get3A_318 = tpu.vector_load %arg9[%get3A_316, %get3A_317] {strides = array<i32>} : memref<512x32xf32, #tpu.memory_space<vmem>>, vector<16xf32>,
      %get3A_319 = arith.index_cast %add3A_308 : i32 to index
      %get3A_320 = arith.constant 16 : index
      %get3A_321 = tpu.vector_load %arg10[%get3A_319, %get3A_320] {strides = array<i32>} : memref<512x32xf32, #tpu.memory_space<vmem>>, vector<16xf32>,
      %mul3A_322 = arith.mulf %get3A_318, %get3A_321 : vector<16xf32>
      %add3A_323 = arith.addf %mul3A_315, %mul3A_322 : vector<16xf32>
      %reduce_sum3A_324 = arith.constant true
      %reduce_sum3A_325 = vector.broadcast %reduce_sum3A_324 : i1 to vector<16xi1>
      %reduce_sum3A_326 = tpu.scan <sum>, %add3A_323 masked %reduce_sum3A_325 : vector<16xf32>, vector<16xi1> -> vector<16xf32>
      %reduce_sum3A_327 = vector.extract %reduce_sum3A_326[15] : f32 from vector<16xf32>
      %eq3A_328 = arith.constant 10 : i32
      %eq3A_329 = vector.broadcast %eq3A_328 : i32 to vector<16xi32>
      %eq3A_330 = arith.cmpi eq, %iota3A, %eq3A_329 : vector<16xi32>
      %jit3A_331 = arith.constant 0.000000e+00 : f32
      %broadcast_in_dim3A_332 = vector.broadcast %reduce_sum3A_327 : f32 to vector<16xf32>
      %broadcast_in_dim3A_333 = vector.broadcast %jit3A_331 : f32 to vector<16xf32>
      %select_n3A_334 = arith.select %eq3A_330, %broadcast_in_dim3A_332, %broadcast_in_dim3A_333 : vector<16xi1>, vector<16xf32>
      %add3A_335 = arith.addf %add3A_306, %select_n3A_334 : vector<16xf32>
      %add3A_336 = arith.constant 11 : i32
      %add3A_337 = arith.addi %mul3A_20, %add3A_336 : i32
      %get3A_338 = arith.index_cast %add3A_337 : i32 to index
      %get3A_339 = arith.constant 0 : index
      %get3A_340 = tpu.vector_load %arg9[%get3A_338, %get3A_339] {strides = array<i32>} : memref<512x32xf32, #tpu.memory_space<vmem>>, vector<16xf32>,
      %get3A_341 = arith.index_cast %add3A_337 : i32 to index
      %get3A_342 = arith.constant 0 : index
      %get3A_343 = tpu.vector_load %arg10[%get3A_341, %get3A_342] {strides = array<i32>} : memref<512x32xf32, #tpu.memory_space<vmem>>, vector<16xf32>,
      %mul3A_344 = arith.mulf %get3A_340, %get3A_343 : vector<16xf32>
      %get3A_345 = arith.index_cast %add3A_337 : i32 to index
      %get3A_346 = arith.constant 16 : index
      %get3A_347 = tpu.vector_load %arg9[%get3A_345, %get3A_346] {strides = array<i32>} : memref<512x32xf32, #tpu.memory_space<vmem>>, vector<16xf32>,
      %get3A_348 = arith.index_cast %add3A_337 : i32 to index
      %get3A_349 = arith.constant 16 : index
      %get3A_350 = tpu.vector_load %arg10[%get3A_348, %get3A_349] {strides = array<i32>} : memref<512x32xf32, #tpu.memory_space<vmem>>, vector<16xf32>,
      %mul3A_351 = arith.mulf %get3A_347, %get3A_350 : vector<16xf32>
      %add3A_352 = arith.addf %mul3A_344, %mul3A_351 : vector<16xf32>
      %reduce_sum3A_353 = arith.constant true
      %reduce_sum3A_354 = vector.broadcast %reduce_sum3A_353 : i1 to vector<16xi1>
      %reduce_sum3A_355 = tpu.scan <sum>, %add3A_352 masked %reduce_sum3A_354 : vector<16xf32>, vector<16xi1> -> vector<16xf32>
      %reduce_sum3A_356 = vector.extract %reduce_sum3A_355[15] : f32 from vector<16xf32>
      %eq3A_357 = arith.constant 11 : i32
      %eq3A_358 = vector.broadcast %eq3A_357 : i32 to vector<16xi32>
      %eq3A_359 = arith.cmpi eq, %iota3A, %eq3A_358 : vector<16xi32>
      %jit3A_360 = arith.constant 0.000000e+00 : f32
      %broadcast_in_dim3A_361 = vector.broadcast %reduce_sum3A_356 : f32 to vector<16xf32>
      %broadcast_in_dim3A_362 = vector.broadcast %jit3A_360 : f32 to vector<16xf32>
      %select_n3A_363 = arith.select %eq3A_359, %broadcast_in_dim3A_361, %broadcast_in_dim3A_362 : vector<16xi1>, vector<16xf32>
      %add3A_364 = arith.addf %add3A_335, %select_n3A_363 : vector<16xf32>
      %add3A_365 = arith.constant 12 : i32
      %add3A_366 = arith.addi %mul3A_20, %add3A_365 : i32
      %get3A_367 = arith.index_cast %add3A_366 : i32 to index
      %get3A_368 = arith.constant 0 : index
      %get3A_369 = tpu.vector_load %arg9[%get3A_367, %get3A_368] {strides = array<i32>} : memref<512x32xf32, #tpu.memory_space<vmem>>, vector<16xf32>,
      %get3A_370 = arith.index_cast %add3A_366 : i32 to index
      %get3A_371 = arith.constant 0 : index
      %get3A_372 = tpu.vector_load %arg10[%get3A_370, %get3A_371] {strides = array<i32>} : memref<512x32xf32, #tpu.memory_space<vmem>>, vector<16xf32>,
      %mul3A_373 = arith.mulf %get3A_369, %get3A_372 : vector<16xf32>
      %get3A_374 = arith.index_cast %add3A_366 : i32 to index
      %get3A_375 = arith.constant 16 : index
      %get3A_376 = tpu.vector_load %arg9[%get3A_374, %get3A_375] {strides = array<i32>} : memref<512x32xf32, #tpu.memory_space<vmem>>, vector<16xf32>,
      %get3A_377 = arith.index_cast %add3A_366 : i32 to index
      %get3A_378 = arith.constant 16 : index
      %get3A_379 = tpu.vector_load %arg10[%get3A_377, %get3A_378] {strides = array<i32>} : memref<512x32xf32, #tpu.memory_space<vmem>>, vector<16xf32>,
      %mul3A_380 = arith.mulf %get3A_376, %get3A_379 : vector<16xf32>
      %add3A_381 = arith.addf %mul3A_373, %mul3A_380 : vector<16xf32>
      %reduce_sum3A_382 = arith.constant true
      %reduce_sum3A_383 = vector.broadcast %reduce_sum3A_382 : i1 to vector<16xi1>
      %reduce_sum3A_384 = tpu.scan <sum>, %add3A_381 masked %reduce_sum3A_383 : vector<16xf32>, vector<16xi1> -> vector<16xf32>
      %reduce_sum3A_385 = vector.extract %reduce_sum3A_384[15] : f32 from vector<16xf32>
      %eq3A_386 = arith.constant 12 : i32
      %eq3A_387 = vector.broadcast %eq3A_386 : i32 to vector<16xi32>
      %eq3A_388 = arith.cmpi eq, %iota3A, %eq3A_387 : vector<16xi32>
      %jit3A_389 = arith.constant 0.000000e+00 : f32
      %broadcast_in_dim3A_390 = vector.broadcast %reduce_sum3A_385 : f32 to vector<16xf32>
      %broadcast_in_dim3A_391 = vector.broadcast %jit3A_389 : f32 to vector<16xf32>
      %select_n3A_392 = arith.select %eq3A_388, %broadcast_in_dim3A_390, %broadcast_in_dim3A_391 : vector<16xi1>, vector<16xf32>
      %add3A_393 = arith.addf %add3A_364, %select_n3A_392 : vector<16xf32>
      %add3A_394 = arith.constant 13 : i32
      %add3A_395 = arith.addi %mul3A_20, %add3A_394 : i32
      %get3A_396 = arith.index_cast %add3A_395 : i32 to index
      %get3A_397 = arith.constant 0 : index
      %get3A_398 = tpu.vector_load %arg9[%get3A_396, %get3A_397] {strides = array<i32>} : memref<512x32xf32, #tpu.memory_space<vmem>>, vector<16xf32>,
      %get3A_399 = arith.index_cast %add3A_395 : i32 to index
      %get3A_400 = arith.constant 0 : index
      %get3A_401 = tpu.vector_load %arg10[%get3A_399, %get3A_400] {strides = array<i32>} : memref<512x32xf32, #tpu.memory_space<vmem>>, vector<16xf32>,
      %mul3A_402 = arith.mulf %get3A_398, %get3A_401 : vector<16xf32>
      %get3A_403 = arith.index_cast %add3A_395 : i32 to index
      %get3A_404 = arith.constant 16 : index
      %get3A_405 = tpu.vector_load %arg9[%get3A_403, %get3A_404] {strides = array<i32>} : memref<512x32xf32, #tpu.memory_space<vmem>>, vector<16xf32>,
      %get3A_406 = arith.index_cast %add3A_395 : i32 to index
      %get3A_407 = arith.constant 16 : index
      %get3A_408 = tpu.vector_load %arg10[%get3A_406, %get3A_407] {strides = array<i32>} : memref<512x32xf32, #tpu.memory_space<vmem>>, vector<16xf32>,
      %mul3A_409 = arith.mulf %get3A_405, %get3A_408 : vector<16xf32>
      %add3A_410 = arith.addf %mul3A_402, %mul3A_409 : vector<16xf32>
      %reduce_sum3A_411 = arith.constant true
      %reduce_sum3A_412 = vector.broadcast %reduce_sum3A_411 : i1 to vector<16xi1>
      %reduce_sum3A_413 = tpu.scan <sum>, %add3A_410 masked %reduce_sum3A_412 : vector<16xf32>, vector<16xi1> -> vector<16xf32>
      %reduce_sum3A_414 = vector.extract %reduce_sum3A_413[15] : f32 from vector<16xf32>
      %eq3A_415 = arith.constant 13 : i32
      %eq3A_416 = vector.broadcast %eq3A_415 : i32 to vector<16xi32>
      %eq3A_417 = arith.cmpi eq, %iota3A, %eq3A_416 : vector<16xi32>
      %jit3A_418 = arith.constant 0.000000e+00 : f32
      %broadcast_in_dim3A_419 = vector.broadcast %reduce_sum3A_414 : f32 to vector<16xf32>
      %broadcast_in_dim3A_420 = vector.broadcast %jit3A_418 : f32 to vector<16xf32>
      %select_n3A_421 = arith.select %eq3A_417, %broadcast_in_dim3A_419, %broadcast_in_dim3A_420 : vector<16xi1>, vector<16xf32>
      %add3A_422 = arith.addf %add3A_393, %select_n3A_421 : vector<16xf32>
      %add3A_423 = arith.constant 14 : i32
      %add3A_424 = arith.addi %mul3A_20, %add3A_423 : i32
      %get3A_425 = arith.index_cast %add3A_424 : i32 to index
      %get3A_426 = arith.constant 0 : index
      %get3A_427 = tpu.vector_load %arg9[%get3A_425, %get3A_426] {strides = array<i32>} : memref<512x32xf32, #tpu.memory_space<vmem>>, vector<16xf32>,
      %get3A_428 = arith.index_cast %add3A_424 : i32 to index
      %get3A_429 = arith.constant 0 : index
      %get3A_430 = tpu.vector_load %arg10[%get3A_428, %get3A_429] {strides = array<i32>} : memref<512x32xf32, #tpu.memory_space<vmem>>, vector<16xf32>,
      %mul3A_431 = arith.mulf %get3A_427, %get3A_430 : vector<16xf32>
      %get3A_432 = arith.index_cast %add3A_424 : i32 to index
      %get3A_433 = arith.constant 16 : index
      %get3A_434 = tpu.vector_load %arg9[%get3A_432, %get3A_433] {strides = array<i32>} : memref<512x32xf32, #tpu.memory_space<vmem>>, vector<16xf32>,
      %get3A_435 = arith.index_cast %add3A_424 : i32 to index
      %get3A_436 = arith.constant 16 : index
      %get3A_437 = tpu.vector_load %arg10[%get3A_435, %get3A_436] {strides = array<i32>} : memref<512x32xf32, #tpu.memory_space<vmem>>, vector<16xf32>,
      %mul3A_438 = arith.mulf %get3A_434, %get3A_437 : vector<16xf32>
      %add3A_439 = arith.addf %mul3A_431, %mul3A_438 : vector<16xf32>
      %reduce_sum3A_440 = arith.constant true
      %reduce_sum3A_441 = vector.broadcast %reduce_sum3A_440 : i1 to vector<16xi1>
      %reduce_sum3A_442 = tpu.scan <sum>, %add3A_439 masked %reduce_sum3A_441 : vector<16xf32>, vector<16xi1> -> vector<16xf32>
      %reduce_sum3A_443 = vector.extract %reduce_sum3A_442[15] : f32 from vector<16xf32>
      %eq3A_444 = arith.constant 14 : i32
      %eq3A_445 = vector.broadcast %eq3A_444 : i32 to vector<16xi32>
      %eq3A_446 = arith.cmpi eq, %iota3A, %eq3A_445 : vector<16xi32>
      %jit3A_447 = arith.constant 0.000000e+00 : f32
      %broadcast_in_dim3A_448 = vector.broadcast %reduce_sum3A_443 : f32 to vector<16xf32>
      %broadcast_in_dim3A_449 = vector.broadcast %jit3A_447 : f32 to vector<16xf32>
      %select_n3A_450 = arith.select %eq3A_446, %broadcast_in_dim3A_448, %broadcast_in_dim3A_449 : vector<16xi1>, vector<16xf32>
      %add3A_451 = arith.addf %add3A_422, %select_n3A_450 : vector<16xf32>
      %add3A_452 = arith.constant 15 : i32
      %add3A_453 = arith.addi %mul3A_20, %add3A_452 : i32
      %get3A_454 = arith.index_cast %add3A_453 : i32 to index
      %get3A_455 = arith.constant 0 : index
      %get3A_456 = tpu.vector_load %arg9[%get3A_454, %get3A_455] {strides = array<i32>} : memref<512x32xf32, #tpu.memory_space<vmem>>, vector<16xf32>,
      %get3A_457 = arith.index_cast %add3A_453 : i32 to index
      %get3A_458 = arith.constant 0 : index
      %get3A_459 = tpu.vector_load %arg10[%get3A_457, %get3A_458] {strides = array<i32>} : memref<512x32xf32, #tpu.memory_space<vmem>>, vector<16xf32>,
      %mul3A_460 = arith.mulf %get3A_456, %get3A_459 : vector<16xf32>
      %get3A_461 = arith.index_cast %add3A_453 : i32 to index
      %get3A_462 = arith.constant 16 : index
      %get3A_463 = tpu.vector_load %arg9[%get3A_461, %get3A_462] {strides = array<i32>} : memref<512x32xf32, #tpu.memory_space<vmem>>, vector<16xf32>,
      %get3A_464 = arith.index_cast %add3A_453 : i32 to index
      %get3A_465 = arith.constant 16 : index
      %get3A_466 = tpu.vector_load %arg10[%get3A_464, %get3A_465] {strides = array<i32>} : memref<512x32xf32, #tpu.memory_space<vmem>>, vector<16xf32>,
      %mul3A_467 = arith.mulf %get3A_463, %get3A_466 : vector<16xf32>
      %add3A_468 = arith.addf %mul3A_460, %mul3A_467 : vector<16xf32>
      %reduce_sum3A_469 = arith.constant true
      %reduce_sum3A_470 = vector.broadcast %reduce_sum3A_469 : i1 to vector<16xi1>
      %reduce_sum3A_471 = tpu.scan <sum>, %add3A_468 masked %reduce_sum3A_470 : vector<16xf32>, vector<16xi1> -> vector<16xf32>
      %reduce_sum3A_472 = vector.extract %reduce_sum3A_471[15] : f32 from vector<16xf32>
      %eq3A_473 = arith.constant 15 : i32
      %eq3A_474 = vector.broadcast %eq3A_473 : i32 to vector<16xi32>
      %eq3A_475 = arith.cmpi eq, %iota3A, %eq3A_474 : vector<16xi32>
      %jit3A_476 = arith.constant 0.000000e+00 : f32
      %broadcast_in_dim3A_477 = vector.broadcast %reduce_sum3A_472 : f32 to vector<16xf32>
      %broadcast_in_dim3A_478 = vector.broadcast %jit3A_476 : f32 to vector<16xf32>
      %select_n3A_479 = arith.select %eq3A_475, %broadcast_in_dim3A_477, %broadcast_in_dim3A_478 : vector<16xi1>, vector<16xf32>
      %add3A_480 = arith.addf %add3A_451, %select_n3A_479 : vector<16xf32>
      %swap3A = arith.index_cast %mul3A_20 : i32 to index
      %swap3A_481 = tpu.vector_load %arg11[%swap3A] {strides = array<i32>} : memref<512xf32, #tpu.memory_space<vmem>>, vector<16xf32>,
      tpu.vector_store %arg11[%swap3A], %add3A_480 {strides = array<i32>} : memref<512xf32, #tpu.memory_space<vmem>>, vector<16xf32>,
    }
    %scan3A_17 = arith.constant 32 : i32
    "tpu.region"() ({
      %run_scoped3A = tpu.sem_alloc : memref<!tpu.dma_semaphore, #tpu.memory_space<semaphore_mem>>
      %dma_start3A_18 = tpu.memref_slice %arg6[%mul3A_2] : memref<16384xf32, #tpu.memory_space<hbm>> -> memref<512xf32, #tpu.memory_space<hbm>>
      %dma_start3A_19 = tpu.memref_slice %arg6[%mul3A_2] : memref<16384xf32, #tpu.memory_space<hbm>> -> memref<512xf32, #tpu.memory_space<hbm>>
      tpu.enqueue_dma source(%arg11 : memref<512xf32, #tpu.memory_space<vmem>>) target(%dma_start3A_19 : memref<512xf32, #tpu.memory_space<hbm>>) target_semaphore(%run_scoped3A : memref<!tpu.dma_semaphore, #tpu.memory_space<semaphore_mem>>)
      %dma_wait3A_20 = tpu.memref_slice %arg6[%mul3A_2] : memref<16384xf32, #tpu.memory_space<hbm>> -> memref<512xf32, #tpu.memory_space<hbm>>
      %dma_wait3A_21 = tpu.memref_slice %arg6[%mul3A_2] : memref<16384xf32, #tpu.memory_space<hbm>> -> memref<512xf32, #tpu.memory_space<hbm>>
      tpu.wait_dma2 semaphore(%run_scoped3A : memref<!tpu.dma_semaphore, #tpu.memory_space<semaphore_mem>>) src(%arg11 : memref<512xf32, #tpu.memory_space<vmem>>) dst(%dma_wait3A_21 : memref<512xf32, #tpu.memory_space<hbm>>)
      tpu.yield
    }) : () -> ()
    return
  }
}

</mosaic_0001>

<sc_bundles>
// kernel: kernel.3.cloned.1.call-start
scs
__scs_entry_jumppad:
0x0: {  	(pc) =	sbr.rel $0x88, $3  }
0x1: {  	(tag) =	ssettag $0x0;
	lr =	simm.s32 $0x1  }
0x2: {  	[smem:$0x3F9D] =	sst lr;
	_ =	strace $0xD0000000  }
0x3: {  	_ = 	snop  }
0x4: {  	_ = 	snop  }
0x5: {  	_ = 	snop  }
0x6: {  	_ = 	snop  }
0x7: {  	_ = 	snop  }
__scs_overlays_trampoline_lowered:
0x8: {  	[smem:$0x3FAC] =	sst s0  }
0x9: {  	[smem:$0x3FAD] =	sst s1  }
0xa: {  	[smem:$0x3FAE] =	sst s2  }
0xb: {  	[smem:$0x3FAF] =	sst s3  }
0xc: {  	[smem:$0x3FB0] =	sst s4  }
0xd: {  	[smem:$0x3FB1] =	sst s5  }
0xe: {  	[smem:$0x3FB2] =	sst s6  }
0xf: {  	[smem:$0x3FB3] =	sst s7  }
0x10: {  	[smem:$0x3FB4] =	sst s8  }
0x11: {  	[smem:$0x3FB5] =	sst s9;
	s0 =	simm.s32 @!p0 $0x0  }
0x12: {  	s1 =	sld [smem:$0x3F9B];
	s0 =	simm.s32 @p0 $0x1  }
0x13: {  	[smem:$0x3FB6] =	sst s0;
	s0 =	simm.s32 @!p1 $0x0  }
0x14: {  	s2 =	sld [smem:$0x3F9A];
	s0 =	simm.s32 @p1 $0x1  }
0x15: {  	[smem:$0x3FB7] =	sst s0;
	s0 =	simm.s32 @!p2 $0x0  }
0x16: {  	s3 =	sld [smem:$0x3FDB];
	s0 =	simm.s32 @p2 $0x1  }
0x17: {  	s4 =	simm.s32 $0x1BF5;
	[smem:$0x3FB9] =	sst s0  }
0x18: {  	s0 =	sld [smem:$0x3F9C];
	_ =	swait.ge [sflag:s4], $0x0  }
0x19: {  	s7 =	sld [smem:$0x3F9D]  }
0x1a: {  	s8 =	sadd.s32 $0xFFFFE003, lr  }
0x1b: {  	s9 =	sadd.s32 $0xFFFFFEF7, lr;
	s5 =	simm.s32 $0xFFFFFFFF;
	p2 =	slt.u32 s8, $0xFFFFF086  }
0x1c: {  	p1 =	slt.u32 s9, $0xF7A;
	s5 =	simm.s32 @!p2 $0x0  }
0x1d: {  	s5 =	simm.s32 @p1 $0x1;
	p0 =	seq.s32 s7, s2  }
0x1e: {  	s7 =	smul.u32 @!p0 $0xF7A, s2;
	p2 =	seq.s32 @!p0 s5, $0x0  }
0x1f: {  	s9 =	smul.u32 $0xF7A, s1;
	s8 =	simm.s32 @!p0 $0x1BF5;
	p2 =	por !p2, p0  }
0x20: {  	[sflag:s8] =	ssyncset.s32 @!p0 $0xFFFFF086;
	s6 =	sadd.s32 @!p0 s3, s7;
	s7 =	simm.s32 @!p0 $0x108  }
0x21: {  	s3 =	sadd.s32 s3, s9;
	s6 =	sadd.s32 @!p0 $0x88, s6;
	s7 =	simm.s32 @p2 $0x1082  }
0x22: {  	[simem:s7], [sflag:s8] =	dma.local @!p0 [hbm:s6], $0xF7A  }
0x23: {  	s9 =	sor.u32 $0xD0000000, s2;
	s6 =	simm.s32 $0x108;
	_ =	swait.ge @!p0 [sflag:s8], $0x0  }
0x24: {  	s3 =	sadd.s32 $0x88, s3;
	s6 =	simm.s32 @!p1 $0x1082;
	[sflag:s4] =	ssyncset.s32 $0xFFFFF086  }
0x25: {  	[simem:s6], [sflag:s4] =	dma.local [hbm:s3], $0xF7A  }
0x26: {  	[smem:$0x3F9D] =	sst s1;
	(tag) =	ssettag s2;
	_ =	strace s9  }
0x27: {  	s1 =	sld [smem:$0x3FAD]  }
0x28: {  	s2 =	sld [smem:$0x3FAE]  }
0x29: {  	s4 =	sld [smem:$0x3FB0]  }
0x2a: {  	p0 =	seq.s32 s5, $0x0;
	s5 =	sld [smem:$0x3FB1]  }
0x2b: {  	s6 =	sld [smem:$0x3FB2]  }
0x2c: {  	s7 =	sld [smem:$0x3FB3]  }
0x2d: {  	s3 =	simm.s32 $0x108;
	s8 =	sld [smem:$0x3FB4]  }
0x2e: {  	s3 =	simm.s32 @!p0 $0x1082;
	s9 =	sld [smem:$0x3FB5]  }
0x2f: {  	lr =	sadd.s32 s0, s3;
	s0 =	sld [smem:$0x3FAC]  }
0x30: {  	s3 =	sld [smem:$0x3FAF]  }
0x31: {  	[smem:$0x3FB8] =	sst s10  }
0x32: {  	s10 =	sld [smem:$0x3FB6];
	_ =	sdelay $0x3  }
0x33: {  	p0 =	seq.s32 s10, $0x1;
	s10 =	sld [smem:$0x3FB8];
	_ =	sdelay $0x3  }
0x34: {  	[smem:$0x3FB8] =	sst s10  }
0x35: {  	s10 =	sld [smem:$0x3FB7];
	_ =	sdelay $0x3  }
0x36: {  	p1 =	seq.s32 s10, $0x1;
	s10 =	sld [smem:$0x3FB8];
	_ =	sdelay $0x3  }
0x37: {  	[smem:$0x3FB8] =	sst s10  }
0x38: {  	s10 =	sld [smem:$0x3FB9]  }
0x39: {  	_ = 	snop;
	(pc) =	sbr.ind lr, $3  }
0x3a: {  	_ = 	snop  }
0x3b: {  	_ = 	snop  }
0x3c: {  	p2 =	seq.s32 s10, $0x1;
	s10 =	sld [smem:$0x3FB8]  }
0x3d: {  	_ =	shalt  }
0x3e: {  	_ =	shalt  }
0x3f: {  	_ =	shalt  }
0x40: {  	_ =	shalt  }
0x41: {  	_ =	shalt  }
0x42: {  	_ =	shalt  }
0x43: {  	_ =	shalt  }
0x44: {  	_ =	shalt  }
0x45: {  	_ =	shalt  }
0x46: {  	_ =	shalt  }
0x47: {  	_ =	shalt  }
0x48: {  	_ =	shalt  }
0x49: {  	_ =	shalt  }
0x4a: {  	_ =	shalt  }
0x4b: {  	_ =	shalt  }
0x4c: {  	_ =	shalt  }
0x4d: {  	_ =	shalt  }
0x4e: {  	_ =	shalt  }
0x4f: {  	_ =	shalt  }
0x50: {  	_ =	shalt  }
0x51: {  	_ =	shalt  }
0x52: {  	_ =	shalt  }
0x53: {  	_ =	shalt  }
0x54: {  	_ =	shalt  }
0x55: {  	_ =	shalt  }
0x56: {  	_ =	shalt  }
0x57: {  	_ =	shalt  }
0x58: {  	_ =	shalt  }
0x59: {  	_ =	shalt  }
0x5a: {  	_ =	shalt  }
0x5b: {  	_ =	shalt  }
0x5c: {  	_ =	shalt  }
0x5d: {  	_ =	shalt  }
0x5e: {  	_ =	shalt  }
0x5f: {  	_ =	shalt  }
0x60: {  	_ =	shalt  }
0x61: {  	_ =	shalt  }
0x62: {  	_ =	shalt  }
0x63: {  	_ =	shalt  }
0x64: {  	_ =	shalt  }
0x65: {  	_ =	shalt  }
0x66: {  	_ =	shalt  }
0x67: {  	_ =	shalt  }
0x68: {  	_ =	shalt  }
0x69: {  	_ =	shalt  }
0x6a: {  	_ =	shalt  }
0x6b: {  	_ =	shalt  }
0x6c: {  	_ =	shalt  }
0x6d: {  	_ =	shalt  }
0x6e: {  	_ =	shalt  }
0x6f: {  	_ =	shalt  }
0x70: {  	_ =	shalt  }
0x71: {  	_ =	shalt  }
0x72: {  	_ =	shalt  }
0x73: {  	_ =	shalt  }
0x74: {  	_ =	shalt  }
0x75: {  	_ =	shalt  }
0x76: {  	_ =	shalt  }
0x77: {  	_ =	shalt  }
0x78: {  	_ =	shalt  }
0x79: {  	_ =	shalt  }
0x7a: {  	_ =	shalt  }
0x7b: {  	_ =	shalt  }
0x7c: {  	_ =	shalt  }
0x7d: {  	_ =	shalt  }
0x7e: {  	_ =	shalt  }
0x7f: {  	_ =	shalt  }
0x80: {  	_ =	shalt  }
0x81: {  	_ =	shalt  }
0x82: {  	_ =	shalt  }
0x83: {  	_ =	shalt  }
0x84: {  	_ =	shalt  }
0x85: {  	_ =	shalt  }
0x86: {  	_ =	shalt  }
0x87: {  	_ =	shalt  }
.Lfunc_end0:
.L_simem_size_0:
called_computation_lowered:
.L_overlay_start_0:
0x88: {  	s2 =	sld [smem:$0x3FD9]  }
0x89: {  	s3 =	sld [smem:$0x3FFE];
	_ =	sdelay $0x1  }
0x8a: {  	s1 =	srdreg.scid  }
0x8b: {  	s0 =	sand.u32 $0x1, s1  }
0x8c: {  	s17 =	sshll.u32 s0, $0xA;
	s2 =	sadd.s32 s3, s2  }
0x8d: {  	s2 =	sadd.s32 s2, s17  }
0x8e: {  	[smem:$0x3FC4] =	sst s2  }
0x8f: {  	_ = 	snop  }
0x90: {  	s2 =	sld [smem:$0x3FC9]  }
0x91: {  	s18 =	sld [smem:$0x3FC8]  }
0x92: {  	s4 =	sld [smem:$0x3FD0];
	(tm) =	ssettm $0x1  }
0x93: {  	s5 =	sld [smem:$0x3FFB];
	_ =	sdelay $0x3  }
0x94: {  	_ =	strace s5  }
0x95: {  	s5 =	sld [smem:$0x3FFC];
	_ =	sdelay $0x3  }
0x96: {  	_ =	strace s5  }
0x97: {  	s5 =	sld [smem:$0x3FFD];
	_ =	sdelay $0x3  }
0x98: {  	_ =	strace s5  }
0x99: {  	_ =	strace $0x8FFFFFFF  }
0x9a: {  	s19 =	sld [smem:$0x3FDB];
	_ =	sdelay $0x1  }
0x9b: {  	s6 =	simm.s32 $_scs_section_size  }
0x9c: {  	s7 =	simm.s32 $_size__tile_overlayer_lowered;
	s8 =	simm.s32 $_tile_overlayer_lowered  }
0x9d: {  	s22 =	simm.s32 $0x1BFF;
	s21 =	sshll.u32 s8, $0x1;
	s5 =	sadd.s32 s6, s19  }
0x9e: {  	s9 =	simm.s32 $0x0;
	s20 =	sshll.u32 s7, $0x1;
	s7 =	sadd.s32 s21, s5  }
0x9f: {  	[timem:s9], [sflag:s22] =	dma.local [hbm:s7], s20  }
0xa0: {  	_ =	swait.ge [sflag:s22], s20  }
0xa1: {  	s6 =	ssub.s32 $0x0, s20;
	[sflag:s22] =	ssyncset.done $0x0  }
0xa2: {  	[sflag:s22] =	ssyncadd.s32 s6;
	_ =	sdelay $0x1  }
0xa3: {  	s23 =	simm.s32 $0x1B8B  }
0xa4: {  	_ =	swait.ge [sflag:s23], $0x1  }
0xa5: {  	[sflag:s23] =	ssyncset.done $0x0  }
0xa6: {  	s25 =	simm.s32 $0x1B8E;
	s24 =	sld [smem:$0x3FFE];
	[sflag:s23] =	ssyncadd.s32 $0xFFFFFFFF  }
0xa7: {  	s26 =	simm.s32 $execute0_lowered;
	[smem:$0x3FD2] =	sst s25  }
0xa8: {  	s7 =	sshll.u32 s26, $0x1;
	_ =	strace $0x80000046;
	[dreg:$0x1] =	wrdreg $0xFFFFFFFF  }
0xa9: {  	s28 =	simm.s32 $_size_execute0_lowered;
	s5 =	sadd.s32 s5, s7;
	[dreg:$0x0] =	wrdreg $0x0  }
0xaa: {  	s7 =	sshll.u32 s28, $0x1;
	[dreg:$0x2] =	wrdreg s5  }
0xab: {  	[dreg:$0x3] =	wrdreg s7  }
0xac: {  	[dreg:$0x4] =	wrdreg $0xC0  }
0xad: {  	_ =	task [dreg:s9], $0x5FFFF  }
0xae: {  	[dreg:$0x1] =	wrdreg $0xFFFFFFFF  }
0xaf: {  	[dreg:$0x0] =	wrdreg $0x60  }
0xb0: {  	[dreg:$0x2] =	wrdreg s2  }
0xb1: {  	[dreg:$0x3] =	wrdreg s18  }
0xb2: {  	[dreg:$0x4] =	wrdreg s24  }
0xb3: {  	[dreg:$0x5] =	wrdreg s4  }
0xb4: {  	[dreg:$0x6] =	wrdreg $0x9  }
0xb5: {  	_ =	task.clear_ibuf [dreg:s9], $0x7FFFF;
	_ =	strace $0x90000046  }
0xb6: {  	s29 =	simm.s32 $0x9;
	_ =	strace $0x80000048  }
0xb7: {  	_ =	swait.ge [sflag:s29], $0x1  }
0xb8: {  	[sflag:s29] =	ssyncadd.s32 $0xFFFFFFFF  }
0xb9: {  	_ =	strace $0x90000048  }
0xba: {  	_ =	sfence  }
0xbb: {  	s30 =	sld [smem:$0x0];
	_ =	sdelay $0x2  }
0xbc: {  	s31 =	sshll.u32 s1, $0xD;
	s1 =	sshrl.u32 s1, $0x2  }
0xbd: {  	s3 =	sand.u32 $0x4000, s31;
	s1 =	sadd.s32 s1, s30  }
0xbe: {  	s0 =	sor.u32 s3, s0;
	s1 =	sshll.u32 s1, $0x11  }
0xbf: {  	s0 =	sor.u32 s1, s0  }
0xc0: {  	s0 =	sadd.s32 $0x8F2B, s0  }
0xc1: {  	[sflag:s0] =	ssyncadd.remote.s32 $0x1  }
0xc2: {  	_ =	sfence.sel $0xFFFF  }
0xc3: {  	[dreg:$0x0] =	wrdreg $0xFFFFFFFF;
	(pc) =	sbr.abs _section_cstart, $3  }
0xc4: {  	[dreg:$0x1] =	wrdreg $0xFFFFFFFF  }
0xc5: {  	_ =	task.clear_ibuf [dreg:s9], $0x2FFFF;
	_ =	strace $0x9FFFFFFF  }
0xc6: {  	(tm) =	ssettm $0x7FFFFFFF  }
0xc7: {  	_ =	shalt  }
tec
execute0_lowered:
.L_overlay_start_1:
0x0: {  	(tag) =	ssettag $0x1  }
0x1: {  	s5 =	rddreg [dreg:$0x0]  }
0x2: {  	s6 =	rddreg [dreg:$0x1]  }
0x3: {  	s4 =	rddreg [dreg:$0x2]  }
0x4: {  	s7 =	rddreg [dreg:$0x3]  }
0x5: {  	s0 =	rddreg [dreg:$0x4];
	s1 =	simm.s32 $0x0;
	s2 =	srdreg.scid  }
0x6: {  	s12 =	simm.s32 $0x4400;
	s13 =	simm.s32 $0x1;
	s14 =	simm.s32 $0x2  }
0x7: {  	s15 =	simm.s32 $0x8400;
	s16 =	simm.s32 $0x0;
	[smem:$0x7FF] =	sst s1  }
0x8: {  	vm1 =	vcmask $0x704;
	s8 =	sand.u32 $0x1, s2;
	s3 =	sadd.s32 $0xF42800, s4;
	s2 =	stileid.u32  }
0x9: {  	vm0 =	vmmov $0x1;
	vm2 =	vcmask $0xB08;
	vm3 =	vcmask $0xF0C;
	s4 =	sadd.s32 $0x1313200, s4;
	_ =	strace $0x80000047;
	s9 =	ssub.s32 $0x2, s8  }
0xa: {  	vm4 =	vcmask $0x1310;
	vm5 =	vcmask $0x1714;
	vm6 =	vcmask $0x1B18;
	s11 =	sshll.u32 s2, $0x7;
	s8 =	sshll.u32 s8, $0x6;
	s10 =	sshrl.u32 s9, $0x1  }
0xb: {  	vm7 =	vcmask $0x1F1C;
	vm8 =	vcmask $0x2320;
	vm9 =	vcmask $0x2724;
	s8 =	sor.u32 s8, s11;
	s11 =	simm.s32 $0x400;
	s9 =	ssub.s32 s9, s10  }
0xc: {  	vm10 =	vcmask $0x2B28;
	vm11 =	vcmask $0x2F2C;
	vm12 =	vcmask $0x3330;
	s5 =	sadd.s32 s5, s8;
	s6 =	sadd.s32 s6, s8;
	s7 =	sadd.s32 s7, s8  }
0xd: {  	vm13 =	vcmask $0x3734;
	vm14 =	vcmask $0x3B38;
	vm15 =	vmmov $0x7fff;
	s10 =	simm.s32 $0x200;
	s8 =	smax.u32 s9, $0x1;
	s9 =	simm.s32 $0x3  }
.LBB2_1:
0xe: {  	[tilespmem:s1], [sflag:$0x3] =	stream.linear.gather [hbm4b:s5+s1], $0x200, $0x38;
	[tilespmem:$0x8600] =	vst v63  }
0xf: {  	_ =	swait.ge [sflag:s9], $0x200  }
0x10: {  	[sflag:s9] =	ssyncset.done $0x0  }
0x11: {  	[sflag:s9] =	ssyncadd.s32 $0xFFFFFE00  }
0x12: {  	[tilespmem:s10], [sflag:$0x3] =	stream.linear.gather [hbm4b:s6+s1], $0x200, $0x38;
	[tilespmem:$0x8600] =	vst v63  }
0x13: {  	_ =	swait.ge [sflag:s9], $0x200  }
0x14: {  	[sflag:s9] =	ssyncset.done $0x0  }
0x15: {  	[sflag:s9] =	ssyncadd.s32 $0xFFFFFE00  }
0x16: {  	[tilespmem:s11], [sflag:$0x1] =	stream.indirect.gather [hbm4b:s3+s10], $0x20, s1, s10, $0xb8;
	[tilespmem:$0x8600] =	vst v63  }
0x17: {  	_ = 	snop  }
0x18: {  	[tilespmem:s12], [sflag:$0x2] =	stream.indirect.gather [hbm4b:s4+s10], $0x20, s10, s10, $0xb8;
	[tilespmem:$0x8600] =	vst v63  }
0x19: {  	_ =	swait.ge [sflag:s13], $0x4000  }
0x1a: {  	[sflag:s13] =	ssyncset.done $0x0  }
0x1b: {  	[sflag:s13] =	ssyncadd.s32 $0xFFFFC000  }
0x1c: {  	_ =	swait.ge [sflag:s14], $0x4000  }
0x1d: {  	[sflag:s14] =	ssyncset.done $0x0  }
0x1e: {  	s17 =	simm.s32 $0x0;
	[sflag:s14] =	ssyncadd.s32 $0xFFFFC000  }
0x1f: {  	v0 =	vld [tilespmem:s17+$0x5A0]  }
0x20: {  	v1 =	vld [tilespmem:s17+$0x45A0]  }
0x21: {  	v2 =	vld [tilespmem:s17+$0x5B0]  }
0x22: {  	v3 =	vld [tilespmem:s17+$0x45B0]  }
0x23: {  	v4 =	vld [tilespmem:s17+$0x560]  }
0x24: {  	v5 =	vld [tilespmem:s17+$0x4560]  }
0x25: {  	v6 =	vld [tilespmem:s17+$0x570]  }
0x26: {  	v7 =	vld [tilespmem:s17+$0x4570]  }
0x27: {  	v8 =	vld [tilespmem:s17+$0x520]  }
0x28: {  	v9 =	vld [tilespmem:s17+$0x4520]  }
0x29: {  	v10 =	vld [tilespmem:s17+$0x530]  }
0x2a: {  	v11 =	vld [tilespmem:s17+$0x4530]  }
0x2b: {  	v12 =	vld [tilespmem:s17+$0x4E0]  }
0x2c: {  	v13 =	vld [tilespmem:s17+$0x44E0]  }
0x2d: {  	v14 =	vld [tilespmem:s17+$0x4F0]  }
0x2e: {  	v15 =	vld [tilespmem:s17+$0x44F0]  }
0x2f: {  	v16 =	vld [tilespmem:s17+$0x4A0]  }
0x30: {  	v17 =	vld [tilespmem:s17+$0x44A0]  }
0x31: {  	v18 =	vld [tilespmem:s17+$0x4B0]  }
0x32: {  	v19 =	vld [tilespmem:s17+$0x44B0]  }
0x33: {  	v20 =	vld [tilespmem:s17+$0x460]  }
0x34: {  	v21 =	vld [tilespmem:s17+$0x4460]  }
0x35: {  	v22 =	vld [tilespmem:s17+$0x470]  }
0x36: {  	v23 =	vld [tilespmem:s17+$0x4470]  }
0x37: {  	v24 =	vld [tilespmem:s17+$0x420]  }
0x38: {  	v25 =	vld [tilespmem:s17+$0x4420]  }
0x39: {  	v26 =	vld [tilespmem:s17+$0x430]  }
0x3a: {  	v27 =	vld [tilespmem:s17+$0x4430]  }
0x3b: {  	v28 =	vld [tilespmem:s17+$0x4400]  }
0x3c: {  	v40 =	vld [tilespmem:s17+$0x4450];
	v0 =	vmul.f32 v1, v0;
	v1 =	vmul.f32 v3, v2  }
0x3d: {  	v3 =	vmul.f32 v5, v4;
	v4 =	vmul.f32 v7, v6;
	v5 =	vld [tilespmem:s17+$0x410]  }
0x3e: {  	v6 =	vmul.f32 v11, v10;
	v7 =	vld [tilespmem:s17+$0x4410];
	v0 =	vadd.f32 v1, v0;
	v1 =	vmul.f32 v9, v8  }
0x3f: {  	v2 =	vld [tilespmem:s17+$0x400];
	v3 =	vadd.f32 v4, v3;
	v4 =	vmul.f32 v13, v12;
	v8 =	vmul.f32 v15, v14  }
0x40: {  	v10 =	vld [tilespmem:s17+$0x4440];
	(xrf2) =	vadd.scan.msk.f32 $0xffff, v0;
	v0 =	vadd.f32 v6, v1;
	v1 =	vmul.f32 v17, v16;
	v6 =	vmul.f32 v19, v18  }
0x41: {  	v11 =	vld [tilespmem:s17+$0x450];
	(xrf2) =	vadd.scan.msk.f32 $0xffff, v3;
	v3 =	vadd.f32 v8, v4;
	v4 =	vmul.f32 v21, v20;
	v8 =	vmul.f32 v23, v22  }
0x42: {  	v9 =	vld [tilespmem:s17+$0x440];
	(xrf2) =	vadd.scan.msk.f32 $0xffff, v0;
	v0 =	vadd.f32 v6, v1;
	v1 =	vmul.f32 v25, v24;
	v6 =	vmul.f32 v27, v26  }
0x43: {  	(xrf2) =	vadd.scan.msk.f32 $0xffff, v3;
	v3 =	vadd.f32 v8, v4;
	v4 =	vmul.f32 v7, v5;
	v5 =	vld [tilespmem:s17+$0x480]  }
0x44: {  	v2 =	vmul.f32 v28, v2;
	(xrf2) =	vadd.scan.msk.f32 $0xffff, v0;
	v0 =	vadd.f32 v6, v1;
	v1 =	vld [tilespmem:s17+$0x4480]  }
0x45: {  	(xrf2) =	vadd.scan.msk.f32 $0xffff, v3;
	v3 =	vld [tilespmem:s17+$0x490]  }
0x46: {  	v2 =	vadd.f32 v4, v2;
	(xrf2) =	vadd.scan.msk.f32 $0xffff, v0;
	v0 =	vld [tilespmem:s17+$0x4490]  }
0x47: {  	v7 =	vld [tilespmem:s17+$0x4C0];
	v6 =	vmul.f32 v40, v11;
	v4 =	vmul.f32 v10, v9  }
0x48: {  	v9 =	vld [tilespmem:s17+$0x44D0];
	(xrf2) =	vadd.scan.msk.f32 $0xffff, v2  }
0x49: {  	v2 =	vld [tilespmem:s17+$0x44C0];
	v4 =	vadd.f32 v6, v4  }
0x4a: {  	v6 =	vld [tilespmem:s17+$0x4D0]  }
0x4b: {  	v1 =	vmul.f32 v1, v5;
	v8, _, _ =	vpop (xrf2);
	v0 =	vmul.f32 v0, v3  }
0x4c: {  	v42 =	vld [tilespmem:s17+$0x4510];
	v10, _, _ =	vpop (xrf2);
	(xrf2) =	vadd.scan.msk.f32 $0xffff, v4  }
0x4d: {  	v45 =	vld [tilespmem:s17+$0x4550];
	v4, _, _ =	vpop (xrf2);
	v0 =	vadd.f32 v0, v1  }
0x4e: {  	v5 =	vld [tilespmem:s17+$0x4500];
	v11, _, _ =	vpop (xrf2)  }
0x4f: {  	v3 =	vld [tilespmem:s17+$0x500];
	v2 =	vmul.f32 v2, v7;
	v6 =	vmul.f32 v9, v6;
	v41, _, _ =	vpop (xrf2)  }
0x50: {  	v1 =	vld [tilespmem:s17+$0x510];
	v43, _, _ =	vpop (xrf2);
	(xrf2) =	vadd.scan.msk.f32 $0xffff, v0  }
0x51: {  	v2 =	vadd.f32 v6, v2;
	v6 =	vld [tilespmem:s17+$0x550];
	v0, _, _ =	vpop (xrf2)  }
0x52: {  	v7 =	vld [tilespmem:s17+$0x540];
	v44, _, _ =	vpop (xrf2)  }
0x53: {  	v9 =	vld [tilespmem:s17+$0x4540];
	v15 =	vbroadcast v44, $0xF  }
0x54: {  	v46 =	vld [tilespmem:s17+$0x4580];
	v3 =	vmul.f32 v5, v3  }
0x55: {  	v48 =	vld [tilespmem:s17+$0x4590];
	(xrf2) =	vadd.scan.msk.f32 $0xffff, v2;
	v1 =	vmul.f32 v42, v1;
	v0 =	vbroadcast v0, $0xF;
	v2 =	vnsel vm0, $0x0, v15  }
0x56: {  	v5 =	vld [tilespmem:s17+$0x580];
	v6 =	vmul.f32 v45, v6;
	v47, _, _ =	vpop (xrf2);
	v2 =	vadd.f32 $0.0e+00, v2  }
0x57: {  	v1 =	vadd.f32 v1, v3;
	v3 =	vld [tilespmem:s17+$0x590];
	v0 =	vnsel vm1, $0x0, v0;
	v15 =	vbroadcast v47, $0xF  }
0x58: {  	v0 =	vadd.f32 v0, v2;
	v2 =	vmul.f32 v9, v7  }
0x59: {  	v50 =	vld [tilespmem:s17+$0x45D0];
	(xrf2) =	vadd.scan.msk.f32 $0xffff, v1;
	v1 =	vnsel vm2, $0x0, v15;
	v9 =	vbroadcast v43, $0xF  }
0x5a: {  	v0 =	vadd.f32 v1, v0;
	v1 =	vadd.f32 v6, v2;
	v2 =	vld [tilespmem:s17+$0x5D0];
	v6, _, _ =	vpop (xrf2)  }
0x5b: {  	v49 =	vld [tilespmem:s17+$0x45C0];
	v5 =	vmul.f32 v46, v5;
	v9 =	vnsel vm3, $0x0, v9;
	v6 =	vbroadcast v6, $0xF  }
0x5c: {  	v7 =	vld [tilespmem:s17+$0x5C0];
	v3 =	vmul.f32 v48, v3;
	v0 =	vadd.f32 v9, v0  }
0x5d: {  	v52 =	vld [tilespmem:s17+$0x45F0];
	(xrf2) =	vadd.scan.msk.f32 $0xffff, v1;
	v1 =	vnsel vm4, $0x0, v6  }
0x5e: {  	v6 =	vbroadcast v41, $0xF;
	v0 =	vadd.f32 v1, v0;
	v1 =	vadd.f32 v3, v5;
	v3 =	vld [tilespmem:s17+$0x5F0]  }
0x5f: {  	v51 =	vld [tilespmem:s17+$0x45E0];
	v5, _, _ =	vpop (xrf2);
	v2 =	vmul.f32 v50, v2  }
0x60: {  	v9 =	vld [tilespmem:s17+$0x5E0];
	v6 =	vnsel vm5, $0x0, v6;
	v5 =	vbroadcast v5, $0xF  }
0x61: {  	v0 =	vadd.f32 v6, v0;
	v6 =	vmul.f32 v49, v7  }
0x62: {  	(xrf2) =	vadd.scan.msk.f32 $0xffff, v1;
	v1 =	vnsel vm6, $0x0, v5;
	v5 =	vbroadcast v11, $0xF  }
0x63: {  	v0 =	vadd.f32 v1, v0;
	v1 =	vadd.f32 v2, v6;
	v2, _, _ =	vpop (xrf2);
	v3 =	vmul.f32 v52, v3  }
0x64: {  	v5 =	vnsel vm7, $0x0, v5;
	v2 =	vbroadcast v2, $0xF  }
0x65: {  	v0 =	vadd.f32 v5, v0;
	v5 =	vmul.f32 v51, v9  }
0x66: {  	(xrf2) =	vadd.scan.msk.f32 $0xffff, v1;
	v1 =	vnsel vm8, $0x0, v2  }
0x67: {  	v0 =	vadd.f32 v1, v0;
	v1 =	vadd.f32 v3, v5;
	v3, _, _ =	vpop (xrf2)  }
0x68: {  	v2 =	vbroadcast v4, $0xF;
	v3 =	vbroadcast v3, $0xF;
	_ =	sdelay $0x1  }
0x69: {  	v2 =	vnsel vm9, $0x0, v2;
	(xrf2) =	vadd.scan.msk.f32 $0xffff, v1;
	v1 =	vnsel vm10, $0x0, v3  }
0x6a: {  	v0 =	vadd.f32 v2, v0;
	_ =	sdelay $0x1  }
0x6b: {  	v0 =	vadd.f32 v1, v0;
	v1, _, _ =	vpop (xrf2)  }
0x6c: {  	v2 =	vbroadcast v10, $0xF;
	v1 =	vbroadcast v1, $0xF;
	_ =	sdelay $0x1  }
0x6d: {  	v2 =	vnsel vm11, $0x0, v2;
	v1 =	vnsel vm12, $0x0, v1  }
0x6e: {  	v0 =	vadd.f32 v2, v0;
	_ =	sdelay $0x1  }
0x6f: {  	v0 =	vadd.f32 v1, v0;
	v1, _, _ =	vpop (xrf2)  }
0x70: {  	v2 =	vbroadcast v8, $0xF;
	v1 =	vbroadcast v1, $0xF;
	_ =	sdelay $0x1  }
0x71: {  	v2 =	vnsel vm13, $0x0, v2;
	v1 =	vnsel vm14, $0x0, v1  }
0x72: {  	v0 =	vadd.f32 v2, v0;
	_ =	sdelay $0x1  }
0x73: {  	v0 =	vadd.f32 v1, v0;
	v1, _, _ =	vpop (xrf2)  }
0x74: {  	v1 =	vsel vm15, $0x0, v1  }
0x75: {  	v0 =	vadd.f32 v1, v0;
	_ =	sdelay $0x1  }
0x76: {  	s18 =	simm.s32 $0x200;
	[tilespmem:s15+$0x0] =	vst v0  }
0x77: {  	v0 =	vld [tilespmem:s18+$0x5A0]  }
0x78: {  	v1 =	vld [tilespmem:s18+$0x45A0]  }
0x79: {  	v2 =	vld [tilespmem:s18+$0x5B0]  }
0x7a: {  	v3 =	vld [tilespmem:s18+$0x45B0]  }
0x7b: {  	v4 =	vld [tilespmem:s18+$0x560]  }
0x7c: {  	v5 =	vld [tilespmem:s18+$0x4560]  }
0x7d: {  	v6 =	vld [tilespmem:s18+$0x570]  }
0x7e: {  	v7 =	vld [tilespmem:s18+$0x4570]  }
0x7f: {  	v8 =	vld [tilespmem:s18+$0x520]  }
0x80: {  	v9 =	vld [tilespmem:s18+$0x4520]  }
0x81: {  	v10 =	vld [tilespmem:s18+$0x530]  }
0x82: {  	v11 =	vld [tilespmem:s18+$0x4530]  }
0x83: {  	v53 =	vld [tilespmem:s18+$0x4E0]  }
0x84: {  	v54 =	vld [tilespmem:s18+$0x44E0]  }
0x85: {  	v55 =	vld [tilespmem:s18+$0x4F0];
	v0 =	vmul.f32 v1, v0;
	v1 =	vmul.f32 v3, v2  }
0x86: {  	v56 =	vld [tilespmem:s18+$0x44F0]  }
0x87: {  	v57 =	vld [tilespmem:s18+$0x4A0];
	v0 =	vadd.f32 v1, v0  }
0x88: {  	v58 =	vld [tilespmem:s18+$0x44A0]  }
0x89: {  	v59 =	vld [tilespmem:s18+$0x44B0];
	(xrf2) =	vadd.scan.msk.f32 $0xffff, v0;
	v0 =	vmul.f32 v5, v4;
	v4 =	vmul.f32 v7, v6  }
0x8a: {  	v60 =	vld [tilespmem:s18+$0x460]  }
0x8b: {  	v61 =	vld [tilespmem:s18+$0x4460];
	v0 =	vadd.f32 v4, v0  }
0x8c: {  	v62 =	vld [tilespmem:s18+$0x470];
	v5 =	vmul.f32 v9, v8;
	v6 =	vmul.f32 v11, v10  }
0x8d: {  	v1 =	vld [tilespmem:s18+$0x4B0];
	(xrf2) =	vadd.scan.msk.f32 $0xffff, v0  }
0x8e: {  	v63 =	vld [tilespmem:s18+$0x4470];
	v9 =	vadd.f32 v6, v5  }
0x8f: {  	v2 =	vld [tilespmem:s18+$0x420];
	v7 =	vmul.f32 v54, v53;
	v8 =	vmul.f32 v56, v55  }
0x90: {  	v3 =	vld [tilespmem:s18+$0x4420];
	(xrf2) =	vadd.scan.msk.f32 $0xffff, v9  }
0x91: {  	v4 =	vld [tilespmem:s18+$0x430];
	v0 =	vadd.f32 v8, v7  }
0x92: {  	v6 =	vld [tilespmem:s18+$0x4430];
	v1 =	vmul.f32 v59, v1;
	v8 =	vmul.f32 v58, v57  }
0x93: {  	v5 =	vld [tilespmem:s18+$0x4400];
	(xrf2) =	vadd.scan.msk.f32 $0xffff, v0  }
0x94: {  	v7 =	vld [tilespmem:s18+$0x400];
	v1 =	vadd.f32 v1, v8  }
0x95: {  	s19 =	simm.s32 $0x1000;
	s17 =	simm.s32 $0x8400;
	v10 =	vmul.f32 v63, v62;
	v9 =	vmul.f32 v61, v60;
	v8 =	vld [tilespmem:s18+$0x410];
	v0, _, _ =	vpop (xrf2)  }
.LBB2_2:
0x96: {  	p0 =	sne.s32 s19, $0xF800;
	v11 =	vld [tilespmem:s18+$0x4410];
	(xrf2) =	vadd.scan.msk.f32 $0xffff, v1  }
0x97: {  	v12 =	vld [tilespmem:s18+$0x440];
	v9 =	vadd.f32 v10, v9;
	v1, _, _ =	vpop (xrf2)  }
0x98: {  	v10 =	vmul.f32 v3, v2;
	v3 =	vmul.f32 v6, v4;
	v4 =	vld [tilespmem:s18+$0x4440]  }
0x99: {  	v6 =	vld [tilespmem:s18+$0x450];
	(xrf2) =	vadd.scan.msk.f32 $0xffff, v9  }
0x9a: {  	v3 =	vadd.f32 v3, v10;
	v9 =	vld [tilespmem:s18+$0x4450];
	v2, _, _ =	vpop (xrf2)  }
0x9b: {  	v5 =	vmul.f32 v5, v7;
	v11 =	vmul.f32 v11, v8;
	v8 =	vld [tilespmem:s18+$0x480]  }
0x9c: {  	v10 =	vld [tilespmem:s18+$0x4480];
	(xrf2) =	vadd.scan.msk.f32 $0xffff, v3  }
0x9d: {  	v3 =	vadd.f32 v11, v5;
	v5 =	vld [tilespmem:s18+$0x490];
	v7, _, _ =	vpop (xrf2)  }
0x9e: {  	v11 =	vld [tilespmem:s18+$0x4490]  }
0x9f: {  	v4 =	vmul.f32 v4, v12;
	v6 =	vmul.f32 v9, v6;
	v9 =	vld [tilespmem:s18+$0x4C0];
	(xrf2) =	vadd.scan.msk.f32 $0xffff, v3  }
0xa0: {  	v3 =	vld [tilespmem:s18+$0x44C0];
	v12, _, _ =	vpop (xrf2)  }
0xa1: {  	v14 =	vadd.f32 v6, v4;
	v6 =	vld [tilespmem:s18+$0x4D0]  }
0xa2: {  	v13 =	vld [tilespmem:s18+$0x44D0]  }
0xa3: {  	v8 =	vmul.f32 v10, v8;
	v5 =	vmul.f32 v11, v5;
	v10 =	vld [tilespmem:s18+$0x500];
	(xrf2) =	vadd.scan.msk.f32 $0xffff, v14;
	v4, _, _ =	vpop (xrf2)  }
0xa4: {  	v11 =	vld [tilespmem:s18+$0x4500]  }
0xa5: {  	v5 =	vadd.f32 v5, v8;
	v8 =	vld [tilespmem:s18+$0x510]  }
0xa6: {  	v14 =	vld [tilespmem:s18+$0x4510];
	v15, _, _ =	vpop (xrf2)  }
0xa7: {  	v3 =	vmul.f32 v3, v9;
	v6 =	vmul.f32 v13, v6;
	v9 =	vld [tilespmem:s18+$0x540];
	(xrf2) =	vadd.scan.msk.f32 $0xffff, v5  }
0xa8: {  	v5 =	vld [tilespmem:s18+$0x4540]  }
0xa9: {  	v3 =	vadd.f32 v6, v3;
	v6 =	vld [tilespmem:s18+$0x550];
	v13, _, _ =	vpop (xrf2)  }
0xaa: {  	v13 =	vbroadcast v13, $0xF;
	v16 =	vld [tilespmem:s18+$0x4550]  }
0xab: {  	v10 =	vmul.f32 v11, v10;
	v8 =	vmul.f32 v14, v8;
	v11 =	vld [tilespmem:s18+$0x580];
	(xrf2) =	vadd.scan.msk.f32 $0xffff, v3  }
0xac: {  	v3 =	vnsel vm0, $0x0, v13;
	v13 =	vbroadcast v15, $0xF;
	v14 =	vld [tilespmem:s18+$0x4580]  }
0xad: {  	v3 =	vadd.f32 $0.0e+00, v3;
	v8 =	vadd.f32 v8, v10;
	v10 =	vld [tilespmem:s18+$0x590];
	v15, _, _ =	vpop (xrf2)  }
0xae: {  	v13 =	vnsel vm1, $0x0, v13;
	v15 =	vbroadcast v15, $0xF;
	v17 =	vld [tilespmem:s18+$0x4590]  }
0xaf: {  	v5 =	vmul.f32 v5, v9;
	v3 =	vadd.f32 v13, v3;
	v6 =	vmul.f32 v16, v6;
	v9 =	vld [tilespmem:s18+$0x5C0];
	(xrf2) =	vadd.scan.msk.f32 $0xffff, v8  }
0xb0: {  	v4 =	vbroadcast v4, $0xF;
	v15 =	vnsel vm2, $0x0, v15;
	v13 =	vld [tilespmem:s18+$0x45C0]  }
0xb1: {  	v3 =	vadd.f32 v15, v3;
	v5 =	vadd.f32 v6, v5;
	v6 =	vld [tilespmem:s18+$0x5D0];
	v8, _, _ =	vpop (xrf2)  }
0xb2: {  	v4 =	vnsel vm3, $0x0, v4;
	v8 =	vbroadcast v8, $0xF;
	v15 =	vld [tilespmem:s18+$0x45D0]  }
0xb3: {  	v3 =	vadd.f32 v4, v3;
	v4 =	vmul.f32 v14, v11;
	v14 =	vmul.f32 v17, v10;
	v11 =	vld [tilespmem:s18+$0x5E0];
	(xrf2) =	vadd.scan.msk.f32 $0xffff, v5  }
0xb4: {  	v5 =	vnsel vm4, $0x0, v8;
	v8 =	vbroadcast v12, $0xF;
	v12 =	vld [tilespmem:s18+$0x45E0]  }
0xb5: {  	v3 =	vadd.f32 v5, v3;
	v4 =	vadd.f32 v14, v4;
	v5 =	vld [tilespmem:s18+$0x5F0];
	v10, _, _ =	vpop (xrf2)  }
0xb6: {  	v8 =	vnsel vm5, $0x0, v8;
	v10 =	vbroadcast v10, $0xF;
	v14 =	vld [tilespmem:s18+$0x45F0]  }
0xb7: {  	v3 =	vadd.f32 v8, v3;
	v8 =	vmul.f32 v13, v9;
	v9 =	vmul.f32 v15, v6;
	(xrf2) =	vadd.scan.msk.f32 $0xffff, v4  }
0xb8: {  	v7 =	vbroadcast v7, $0xF;
	v4 =	vnsel vm6, $0x0, v10  }
0xb9: {  	v3 =	vadd.f32 v4, v3;
	v4 =	vadd.f32 v9, v8;
	v6, _, _ =	vpop (xrf2)  }
0xba: {  	v7 =	vnsel vm7, $0x0, v7;
	v6 =	vbroadcast v6, $0xF  }
0xbb: {  	v3 =	vadd.f32 v7, v3;
	v7 =	vmul.f32 v12, v11;
	v8 =	vmul.f32 v14, v5;
	(xrf2) =	vadd.scan.msk.f32 $0xffff, v4  }
0xbc: {  	v2 =	vbroadcast v2, $0xF;
	v4 =	vnsel vm8, $0x0, v6  }
0xbd: {  	v3 =	vadd.f32 v4, v3;
	v4 =	vadd.f32 v8, v7;
	v5, _, _ =	vpop (xrf2)  }
0xbe: {  	v2 =	vnsel vm9, $0x0, v2;
	v5 =	vbroadcast v5, $0xF  }
0xbf: {  	v2 =	vadd.f32 v2, v3;
	(xrf2) =	vadd.scan.msk.f32 $0xffff, v4  }
0xc0: {  	v1 =	vbroadcast v1, $0xF;
	v4 =	vnsel vm10, $0x0, v5  }
0xc1: {  	v2 =	vadd.f32 v4, v2;
	v3, _, _ =	vpop (xrf2)  }
0xc2: {  	v1 =	vnsel vm11, $0x0, v1;
	v3 =	vbroadcast v3, $0xF  }
0xc3: {  	v1 =	vadd.f32 v1, v2  }
0xc4: {  	v0 =	vbroadcast v0, $0xF;
	v3 =	vnsel vm12, $0x0, v3  }
0xc5: {  	v1 =	vadd.f32 v3, v1;
	v2, _, _ =	vpop (xrf2)  }
0xc6: {  	v0 =	vnsel vm13, $0x0, v0;
	v2 =	vbroadcast v2, $0xF  }
0xc7: {  	v0 =	vadd.f32 v0, v1  }
0xc8: {  	v2 =	vnsel vm14, $0x0, v2  }
0xc9: {  	v0 =	vadd.f32 v2, v0;
	v1, _, _ =	vpop (xrf2)  }
0xca: {  	v1 =	vsel vm15, $0x0, v1  }
0xcb: {  	v0 =	vadd.f32 v1, v0  }
0xcc: {  	s17 =	sadd.s32 $0x10, s17  }
0xcd: {  	s18 =	sshra.s32 s19, $0x2;
	[tilespmem:s17+$0x0] =	vst v0  }
0xce: {  	v0 =	vld [tilespmem:s18+$0x5A0]  }
0xcf: {  	v1 =	vld [tilespmem:s18+$0x45A0]  }
0xd0: {  	v2 =	vld [tilespmem:s18+$0x5B0]  }
0xd1: {  	v3 =	vld [tilespmem:s18+$0x45B0]  }
0xd2: {  	v4 =	vld [tilespmem:s18+$0x560]  }
0xd3: {  	v5 =	vld [tilespmem:s18+$0x4560]  }
0xd4: {  	v6 =	vld [tilespmem:s18+$0x570]  }
0xd5: {  	v7 =	vld [tilespmem:s18+$0x4570]  }
0xd6: {  	v8 =	vld [tilespmem:s18+$0x520]  }
0xd7: {  	v9 =	vld [tilespmem:s18+$0x4520]  }
0xd8: {  	v10 =	vld [tilespmem:s18+$0x530]  }
0xd9: {  	v11 =	vld [tilespmem:s18+$0x4530]  }
0xda: {  	v12 =	vld [tilespmem:s18+$0x4E0]  }
0xdb: {  	v13 =	vld [tilespmem:s18+$0x44E0]  }
0xdc: {  	v14 =	vld [tilespmem:s18+$0x4F0]  }
0xdd: {  	v0 =	vmul.f32 v1, v0;
	v1 =	vmul.f32 v3, v2;
	v15 =	vld [tilespmem:s18+$0x44F0]  }
0xde: {  	v16 =	vld [tilespmem:s18+$0x4A0]  }
0xdf: {  	v0 =	vadd.f32 v1, v0;
	v17 =	vld [tilespmem:s18+$0x44A0]  }
0xe0: {  	v2 =	vmul.f32 v5, v4;
	v3 =	vmul.f32 v7, v6;
	v1 =	vld [tilespmem:s18+$0x4B0]  }
0xe1: {  	v5 =	vld [tilespmem:s18+$0x44B0];
	(xrf2) =	vadd.scan.msk.f32 $0xffff, v0  }
0xe2: {  	v0 =	vadd.f32 v3, v2;
	v18 =	vld [tilespmem:s18+$0x460]  }
0xe3: {  	v2 =	vmul.f32 v9, v8;
	v3 =	vmul.f32 v11, v10;
	v19 =	vld [tilespmem:s18+$0x4460]  }
0xe4: {  	v10 =	vld [tilespmem:s18+$0x470];
	(xrf2) =	vadd.scan.msk.f32 $0xffff, v0  }
0xe5: {  	v0 =	vadd.f32 v3, v2;
	v11 =	vld [tilespmem:s18+$0x4470]  }
0xe6: {  	v6 =	vmul.f32 v13, v12;
	v7 =	vmul.f32 v15, v14;
	v2 =	vld [tilespmem:s18+$0x420]  }
0xe7: {  	v3 =	vld [tilespmem:s18+$0x4420];
	(xrf2) =	vadd.scan.msk.f32 $0xffff, v0  }
.Ltmp0:
0xe8: {  	v9 =	vadd.f32 v7, v6;
	v4 =	vld [tilespmem:s18+$0x430];
	(pc) =	sbr.rel @p0 .LBB2_2-.Ltmp0, $4  }
0xe9: {  	v8 =	vmul.f32 v17, v16;
	v1 =	vmul.f32 v5, v1;
	v6 =	vld [tilespmem:s18+$0x4430]  }
0xea: {  	v5 =	vld [tilespmem:s18+$0x4400];
	(xrf2) =	vadd.scan.msk.f32 $0xffff, v9  }
0xeb: {  	v1 =	vadd.f32 v1, v8;
	v7 =	vld [tilespmem:s18+$0x400];
	v0, _, _ =	vpop (xrf2)  }
0xec: {  	s19 =	sadd.s32 $0x800, s19;
	v9 =	vmul.f32 v19, v18;
	v10 =	vmul.f32 v11, v10;
	v8 =	vld [tilespmem:s18+$0x410]  }
0xed: {  	v11 =	vld [tilespmem:s18+$0x4410]  }
0xee: {  	v12 =	vld [tilespmem:s18+$0x440]  }
0xef: {  	v13 =	vld [tilespmem:s18+$0x4440]  }
0xf0: {  	v14 =	vld [tilespmem:s18+$0x450]  }
0xf1: {  	v2 =	vmul.f32 v3, v2;
	v43 =	vld [tilespmem:s18+$0x4450];
	v42 =	vmul.f32 v6, v4  }
0xf2: {  	v46 =	vld [tilespmem:s18+$0x480];
	v44 =	vadd.f32 v10, v9;
	v5 =	vmul.f32 v5, v7;
	v45 =	vmul.f32 v11, v8  }
0xf3: {  	(xrf2) =	vadd.scan.msk.f32 $0xffff, v1;
	v48 =	vld [tilespmem:s18+$0x4480];
	v47 =	vadd.f32 v42, v2  }
0xf4: {  	v50 =	vld [tilespmem:s18+$0x490];
	(xrf2) =	vadd.scan.msk.f32 $0xffff, v44;
	v49 =	vadd.f32 v45, v5  }
0xf5: {  	v51 =	vld [tilespmem:s18+$0x4490];
	(xrf2) =	vadd.scan.msk.f32 $0xffff, v47  }
0xf6: {  	v53 =	vld [tilespmem:s18+$0x4C0];
	v52 =	vmul.f32 v13, v12;
	v4 =	vmul.f32 v43, v14;
	(xrf2) =	vadd.scan.msk.f32 $0xffff, v49  }
0xf7: {  	v54 =	vld [tilespmem:s18+$0x44C0]  }
0xf8: {  	v55 =	vld [tilespmem:s18+$0x4D0];
	v4 =	vadd.f32 v4, v52  }
0xf9: {  	v56 =	vld [tilespmem:s18+$0x44D0]  }
0xfa: {  	v57 =	vld [tilespmem:s18+$0x500];
	v10, _, _ =	vpop (xrf2);
	v2 =	vmul.f32 v48, v46;
	v1 =	vmul.f32 v51, v50;
	(xrf2) =	vadd.scan.msk.f32 $0xffff, v4  }
0xfb: {  	v59 =	vld [tilespmem:s18+$0x4500];
	v58, _, _ =	vpop (xrf2)  }
0xfc: {  	v61 =	vld [tilespmem:s18+$0x510];
	v60, _, _ =	vpop (xrf2);
	v1 =	vadd.f32 v1, v2  }
0xfd: {  	v63 =	vld [tilespmem:s18+$0x4510];
	v62, _, _ =	vpop (xrf2)  }
0xfe: {  	v21 =	vld [tilespmem:s18+$0x540];
	v3 =	vmul.f32 v54, v53;
	v6 =	vmul.f32 v56, v55;
	(xrf2) =	vadd.scan.msk.f32 $0xffff, v1;
	v20, _, _ =	vpop (xrf2)  }
0xff: {  	v23 =	vld [tilespmem:s18+$0x4540];
	v22, _, _ =	vpop (xrf2)  }
0x100: {  	v24 =	vld [tilespmem:s18+$0x550];
	v3 =	vadd.f32 v6, v3;
	v15, _, _ =	vpop (xrf2)  }
0x101: {  	v16 =	vld [tilespmem:s18+$0x4550];
	v15 =	vbroadcast v15, $0xF  }
0x102: {  	v25 =	vld [tilespmem:s18+$0x580];
	v5 =	vmul.f32 v59, v57;
	v2 =	vmul.f32 v63, v61;
	(xrf2) =	vadd.scan.msk.f32 $0xffff, v3  }
0x103: {  	v27 =	vld [tilespmem:s18+$0x4580];
	v1 =	vbroadcast v22, $0xF;
	v26 =	vnsel vm0, $0x0, v15  }
0x104: {  	v28 =	vld [tilespmem:s18+$0x590];
	v2 =	vadd.f32 v2, v5;
	v29, _, _ =	vpop (xrf2);
	v3 =	vadd.f32 $0.0e+00, v26  }
0x105: {  	v17 =	vld [tilespmem:s18+$0x4590];
	v1 =	vnsel vm1, $0x0, v1;
	v15 =	vbroadcast v29, $0xF  }
0x106: {  	v31 =	vld [tilespmem:s18+$0x5C0];
	v30 =	vmul.f32 v23, v21;
	v6 =	vmul.f32 v16, v24;
	(xrf2) =	vadd.scan.msk.f32 $0xffff, v2;
	v1 =	vadd.f32 v1, v3  }
0x107: {  	v34 =	vld [tilespmem:s18+$0x45C0];
	v33 =	vbroadcast v20, $0xF;
	v32 =	vnsel vm2, $0x0, v15  }
0x108: {  	v36 =	vld [tilespmem:s18+$0x5D0];
	v35 =	vadd.f32 v6, v30;
	v37, _, _ =	vpop (xrf2);
	v1 =	vadd.f32 v32, v1  }
0x109: {  	v38 =	vld [tilespmem:s18+$0x45D0];
	v9 =	vnsel vm3, $0x0, v33;
	v6 =	vbroadcast v37, $0xF  }
0x10a: {  	v39 =	vld [tilespmem:s18+$0x5E0];
	v8 =	vmul.f32 v27, v25;
	v5 =	vmul.f32 v17, v28;
	(xrf2) =	vadd.scan.msk.f32 $0xffff, v35;
	v1 =	vadd.f32 v9, v1  }
0x10b: {  	v42 =	vld [tilespmem:s18+$0x45E0];
	v41 =	vbroadcast v62, $0xF;
	v40 =	vnsel vm4, $0x0, v6  }
0x10c: {  	v44 =	vld [tilespmem:s18+$0x5F0];
	v43 =	vadd.f32 v5, v8;
	v45, _, _ =	vpop (xrf2);
	v1 =	vadd.f32 v40, v1  }
0x10d: {  	v46 =	vld [tilespmem:s18+$0x45F0];
	v8 =	vbroadcast v45, $0xF;
	v6 =	vnsel vm5, $0x0, v41  }
0x10e: {  	v47 =	vmul.f32 v34, v31;
	(xrf2) =	vadd.scan.msk.f32 $0xffff, v43;
	v3 =	vmul.f32 v38, v36;
	v1 =	vadd.f32 v6, v1  }
0x10f: {  	v49 =	vbroadcast v60, $0xF;
	v48 =	vnsel vm6, $0x0, v8  }
0x110: {  	v50 =	vadd.f32 v3, v47;
	v51, _, _ =	vpop (xrf2);
	v1 =	vadd.f32 v48, v1  }
0x111: {  	v52 =	vnsel vm7, $0x0, v49;
	v3 =	vbroadcast v51, $0xF  }
0x112: {  	v53 =	vmul.f32 v42, v39;
	v5 =	vmul.f32 v46, v44;
	(xrf2) =	vadd.scan.msk.f32 $0xffff, v50;
	v1 =	vadd.f32 v52, v1  }
0x113: {  	v55 =	vbroadcast v58, $0xF;
	v54 =	vnsel vm8, $0x0, v3  }
0x114: {  	v56 =	vadd.f32 v5, v53;
	v57, _, _ =	vpop (xrf2);
	v1 =	vadd.f32 v54, v1  }
0x115: {  	v4 =	vbroadcast v57, $0xF;
	v3 =	vnsel vm9, $0x0, v55  }
0x116: {  	(xrf2) =	vadd.scan.msk.f32 $0xffff, v56;
	v1 =	vadd.f32 v3, v1  }
0x117: {  	v59 =	vbroadcast v10, $0xF;
	v58 =	vnsel vm10, $0x0, v4  }
0x118: {  	v60, _, _ =	vpop (xrf2);
	v1 =	vadd.f32 v58, v1  }
0x119: {  	v2 =	vbroadcast v60, $0xF;
	v3 =	vnsel vm11, $0x0, v59  }
0x11a: {  	v1 =	vadd.f32 v3, v1  }
0x11b: {  	v0 =	vbroadcast v0, $0xF;
	v2 =	vnsel vm12, $0x0, v2  }
0x11c: {  	v61, _, _ =	vpop (xrf2);
	v1 =	vadd.f32 v2, v1  }
0x11d: {  	v0 =	vnsel vm13, $0x0, v0;
	v2 =	vbroadcast v61, $0xF  }
0x11e: {  	v0 =	vadd.f32 v0, v1  }
0x11f: {  	v62 =	vnsel vm14, $0x0, v2  }
0x120: {  	v63, _, _ =	vpop (xrf2);
	v0 =	vadd.f32 v62, v0  }
0x121: {  	v1 =	vsel vm15, $0x0, v63  }
0x122: {  	s16 =	sadd.s32 $0x1, s16;
	v0 =	vadd.f32 v1, v0  }
0x123: {  	s17 =	sadd.s32 $0x10, s17;
	p0 =	sne.s32 s16, s8  }
.Ltmp1:
0x124: {  	[tilespmem:s17+$0x0] =	vst v0;
	(pc) =	sbr.rel @p0 .LBB2_1-.Ltmp1, $4  }
0x125: {  	[hbm4b:s7+s1] =	stream.linear.scatter [tilespmem:s15], [sflag:$0x3], $0x200, $0x38;
	[tilespmem:$0x8600] =	vst v63  }
0x126: {  	_ =	swait.ge [sflag:s9], $0x200  }
0x127: {  	[sflag:s9] =	ssyncset.done $0x0  }
0x128: {  	[sflag:s9] =	ssyncadd.s32 $0xFFFFFE00  }
0x129: {  	_ =	sfence.sel $0x180000  }
0x12a: {  	[bflag:$0x0] =	sbarrier.arrive $0xFFFF  }
0x12b: {  	p0 =	sne.s32 s2, $0x0;
	_ =	strace $0x90000047  }
0x12c: {  	s0 =	sadd.s32 @!p0 $0x100000, s0;
	[bflag:$0x2] =	sbarrier.arrive $0xFFFF  }
0x12d: {  	[sflag:s0] =	ssyncadd.tile.s32 @!p0 $0x1;
	_ =	shalt  }
.Lfunc_end2:
_tile_overlayer_lowered:
.L_overlay_start_2:
0x12e: {  	(tag) =	ssettag $0x2  }
0x12f: {  	s0 =	rddreg [dreg:$0x0];
	s2 =	stileid.u32  }
0x130: {  	s1 =	rddreg [dreg:$0x1];
	p0 =	sne.s32 s2, $0x0  }
0x131: {  	s3 =	rddreg [dreg:$0x2];
	[bflag:$0x3] =	sbarrier.arrive $0xFFFF;
	s2 =	simm.s32 @!p0 $0x1C03  }
0x132: {  	[timem:s3], [sflag:s2] =	dma.local @!p0 [hbm:s0], s1  }
0x133: {  	s0 =	simm.s32 @!p0 $0x3  }
0x134: {  	_ =	swait.ge @!p0 [sflag:s0], s1  }
0x135: {  	s1 =	ssub.s32 @!p0 $0x0, s1;
	[sflag:s0] =	ssyncset.done @!p0 $0x0  }
0x136: {  	[sflag:s0] =	ssyncadd.s32 @!p0 s1  }
0x137: {  	[bflag:$0x3] =	sbarrier.arrive $0xFFFF  }
0x138: {  	_ =	shalt  }

</sc_bundles>
